<compile_context>
chip_gen: v7x
topology: tpu7x:2x2x1
jax: 0.10.2.dev20260603
libtpu: 0.0.44.dev20260713+nightly
codegen_flags: <defaults>
</compile_context>

<pallas_src>
import functools

import jax
import jax.numpy as jnp
from jax.experimental import pallas as pl
from jax.experimental.pallas import tpu as pltpu
from jax.experimental.pallas import tpu_sc as plsc

_NCAND = 6
_SC_CORES = 2
_SC_SUBCORES = 16


def _prep_body(f_ref, p_ref, fn_ref, so_ref):
    f = f_ref[...]
    nrm = jnp.sqrt(jnp.sum(f * f, axis=1, keepdims=True))
    fn_ref[...] = f / jnp.maximum(nrm, 1e-12)
    p = p_ref[...]
    e = jnp.exp(p - jnp.max(p, axis=1, keepdims=True))
    so_ref[...] = e / jnp.sum(e, axis=1, keepdims=True)


def _scatter_body(t_ref, fn_ref, so_ref, fb_in, scb_in, fb_ref, scb_ref):
    del t_ref, fb_in, scb_in
    fb_ref[...] = fn_ref[...]
    scb_ref[...] = so_ref[...]


def _hop_body(q_ref, b_ref, vals_ref, idx_ref, *, tn):
    tq = q_ref.shape[0]
    s = jax.lax.dot_general(
        q_ref[...], b_ref[...], (((1,), (1,)), ((), ())),
        preferred_element_type=jnp.float32,
        precision=jax.lax.Precision.HIGHEST)
    base = pl.program_id(1) * tn
    cols = jax.lax.broadcasted_iota(jnp.int32, (tq, tn), 1)
    vl, il = [], []
    for _ in range(_NCAND):
        m = jnp.max(s, axis=1, keepdims=True)
        gi = jnp.min(jnp.where(s == m, cols, 2**31 - 1),
                     axis=1, keepdims=True)
        vl.append(m[:, 0])
        il.append(base + gi[:, 0])
        s = jnp.where(cols == gi, -jnp.inf, s)
    vals_ref[0, 0] = jnp.stack(vl, axis=1)
    idx_ref[0, 0] = jnp.stack(il, axis=1)


def _merge_body(v_ref, i_ref, out_ref, *, n_real):
    v = v_ref[...]
    ii = i_ref[...]
    v = jnp.where(ii < n_real, v, -jnp.inf)
    outs = []
    for _ in range(_NCAND):
        m = jnp.max(v, axis=1, keepdims=True)
        big = jnp.full_like(ii, 2**31 - 1)
        gi = jnp.min(jnp.where(v == m, ii, big), axis=1, keepdims=True)
        outs.append(gi)
        v = jnp.where(ii == gi, -jnp.inf, v)
    out_ref[...] = jnp.concatenate(outs, axis=1)


def _run_hop(q, bank, tq, tn, n_real):
    qn, d = q.shape
    n = bank.shape[0]
    nq, nt = qn // tq, n // tn
    npt = _NCAND
    vals, idxs = pl.pallas_call(
        functools.partial(_hop_body, tn=tn),
        grid=(nq, nt),
        in_specs=[pl.BlockSpec((tq, d), lambda iq, it: (iq, 0)),
                  pl.BlockSpec((tn, d), lambda iq, it: (it, 0))],
        out_specs=[pl.BlockSpec((1, 1, tq, npt),
                                lambda iq, it: (iq, it, 0, 0)),
                   pl.BlockSpec((1, 1, tq, npt),
                                lambda iq, it: (iq, it, 0, 0))],
        out_shape=[jax.ShapeDtypeStruct((nq, nt, tq, npt), jnp.float32),
                   jax.ShapeDtypeStruct((nq, nt, tq, npt), jnp.int32)],
    )(q, bank)
    nc = nt * npt
    v2 = vals.transpose(0, 2, 1, 3).reshape(qn, nc)
    i2 = idxs.transpose(0, 2, 1, 3).reshape(qn, nc)
    return pl.pallas_call(
        functools.partial(_merge_body, n_real=n_real),
        grid=(nq,),
        in_specs=[pl.BlockSpec((tq, nc), lambda iq: (iq, 0)),
                  pl.BlockSpec((tq, nc), lambda iq: (iq, 0))],
        out_specs=pl.BlockSpec((tq, _NCAND), lambda iq: (iq, 0)),
        out_shape=jax.ShapeDtypeStruct((qn, _NCAND), jnp.int32),
    )(v2, i2)


def _sc_gather(table, idx):
    _, d = table.shape
    m = idx.shape[0]
    nw = _SC_CORES * _SC_SUBCORES
    b_per_w = m // nw
    mesh = plsc.VectorSubcoreMesh(core_axis_name="c", subcore_axis_name="s")

    def body(table_hbm, idx_hbm, out_hbm, idx_v, rows_v, sem):
        wid = jax.lax.axis_index("s") * _SC_CORES + jax.lax.axis_index("c")
        base = wid * b_per_w
        pltpu.sync_copy(idx_hbm.at[pl.ds(base, b_per_w)], idx_v)
        pltpu.async_copy(table_hbm.at[idx_v], rows_v, sem).wait()
        pltpu.sync_copy(rows_v, out_hbm.at[pl.ds(base, b_per_w)])

    return pl.kernel(
        body,
        out_type=jax.ShapeDtypeStruct((m, d), jnp.float32),
        mesh=mesh,
        scratch_types=[
            pltpu.VMEM((b_per_w,), jnp.int32),
            pltpu.VMEM((b_per_w, d), jnp.float32),
            pltpu.SemaphoreType.DMA,
        ],
    )(table, idx)


def _loss_body(so_ref, sn_ref, snkk_ref, idxnn_ref, trg_ref, out_ref):
    so = so_ref[...]
    sn = sn_ref[...]
    snkk = snkk_ref[...]
    so3 = so[:, None, :]
    kl2 = jnp.sum(sn * (jnp.log(sn) - so3), axis=2)
    eq = (idxnn_ref[...] == trg_ref[...]).astype(jnp.float32)
    match = jnp.sum(eq, axis=2)
    w = jnp.where(match > 0.0, match, 0.1)
    kl1 = jnp.sum(snkk * (jnp.log(snkk) - so3), axis=2)
    b = so.shape[0]
    ms = jnp.mean(so, axis=0, keepdims=True)
    gent = jnp.sum(ms * jnp.log(ms + 1e-5), axis=1, keepdims=True)
    t1 = jnp.sum(kl1, axis=(0, 1), keepdims=True)
    t2 = jnp.sum(kl2 * w, axis=(0, 1), keepdims=True)
    out_ref[...] = (t1 * 0.1 + t2) / b + gent


def kernel(features, predictions, fea_bank, score_bank, trg_idx):
    b, d = features.shape
    c = predictions.shape[1]
    n = fea_bank.shape[0]
    k = _NCAND - 1
    tn = 5120
    n_pad = ((n + tn - 1) // tn) * tn
    trg_idx = trg_idx.astype(jnp.int32)

    fn, so = pl.pallas_call(
        _prep_body,
        out_shape=[jax.ShapeDtypeStruct((b, d), jnp.float32),
                   jax.ShapeDtypeStruct((b, c), jnp.float32)],
    )(features, predictions)

    fb_padded = jnp.pad(fea_bank, ((0, n_pad - n), (0, 0)))
    scb_padded = jnp.pad(score_bank, ((0, 0), (0, d - c)))
    so_padded = jnp.pad(so, ((0, 0), (0, d - c)))
    fbp3, scbp3 = pl.pallas_call(
        _scatter_body,
        grid_spec=pltpu.PrefetchScalarGridSpec(
            num_scalar_prefetch=1,
            grid=(b,),
            in_specs=[
                pl.BlockSpec((1, 1, d), lambda j, t: (j, 0, 0)),
                pl.BlockSpec((1, 1, d), lambda j, t: (j, 0, 0)),
                pl.BlockSpec(memory_space=pl.ANY),
                pl.BlockSpec(memory_space=pl.ANY),
            ],
            out_specs=[
                pl.BlockSpec((1, 1, d), lambda j, t: (t[j], 0, 0)),
                pl.BlockSpec((1, 1, d), lambda j, t: (t[j], 0, 0)),
            ],
        ),
        out_shape=[
            jax.ShapeDtypeStruct((n_pad, 1, d), jnp.float32),
            jax.ShapeDtypeStruct((n, 1, d), jnp.float32),
        ],
        input_output_aliases={3: 0, 4: 1},
    )(trg_idx, fn.reshape(b, 1, d), so_padded.reshape(b, 1, d),
      fb_padded.reshape(n_pad, 1, d), scb_padded.reshape(n, 1, d))

    fb = fbp3.reshape(n_pad, d)
    scbp = scbp3.reshape(n, d)

    top1 = _run_hop(fn, fb, b, tn, n)
    idx_near = top1[:, 1:].reshape(b * k)

    q2 = _sc_gather(fb, idx_near)
    sn_rows = _sc_gather(scbp, idx_near)[:, :c]
    top2 = _run_hop(q2, fb, b, tn, n)
    idx_nn = top2[:, 1:]

    snkk_rows = _sc_gather(scbp, idx_nn.reshape(b * k * k))[:, :c]
    sn3 = sn_rows.reshape(b, k, c)
    snkk3 = snkk_rows.reshape(b, k * k, c)

    out = pl.pallas_call(
        _loss_body,
        out_shape=jax.ShapeDtypeStruct((1, 1), jnp.float32),
    )(so, sn3, snkk3, idx_nn.reshape(b, k, k), trg_idx.reshape(b, 1, 1))
    return out.reshape(())

# --- scband reference (transcript-rebuilt; emitter-appended) ---
"""Pipeline reference for scband-nrc-57956288692800 (READ-ONLY COPY).

The authoritative reference and input builder live on the scoring server;
editing this copy changes nothing except your own understanding.
"""

import jax, jax.numpy as jnp
import numpy as np

B, N, D, C, K = 512, 50000, 128, 16, 5
EPS = 1e-05


def setup_inputs(seed: int = 0) -> dict:
    key = jax.random.key(seed)
    k1, k2, k3, k4, k5 = jax.random.split(key, 5)
    features = jax.random.normal(k1, (B, D), dtype=jnp.float32)
    predictions = jax.random.normal(k2, (B, C), dtype=jnp.float32)
    fea_bank = jax.random.normal(k3, (N, D), dtype=jnp.float32)
    sb = jax.random.uniform(k4, (N, C), dtype=jnp.float32) + 1e-3
    score_bank = sb / sb.sum(axis=1, keepdims=True)  # row-stochastic like stored softmax scores
    trg_idx = jax.random.randint(k5, (B,), 0, N, dtype=jnp.int32)
    return {"features": features, "predictions": predictions, "fea_bank": fea_bank,
            "score_bank": score_bank, "trg_idx": trg_idx}


def reference(features, predictions, fea_bank, score_bank, trg_idx):
    sg = jax.lax.stop_gradient
    softmax_out = jax.nn.softmax(predictions, axis=1)
    # ---- torch.no_grad() block ----
    fnorm = features / jnp.maximum(jnp.linalg.norm(features, axis=1, keepdims=True), 1e-12)
    output_f_ = sg(fnorm)
    fb = sg(fea_bank.at[trg_idx].set(output_f_))
    scb = sg(score_bank.at[trg_idx].set(sg(softmax_out)))
    # first-hop kNN: queries vs full bank
    distance = output_f_ @ fb.T                      # [B, N]
    _, idx_near = jax.lax.top_k(distance, K + 1)
    idx_near = idx_near[:, 1:]                       # drop self, [B, K]
    score_near = scb[idx_near]                       # [B, K, C]
    fea_near = fb[idx_near]                          # [B, K, D]
    # second-hop kNN: neighbors vs full bank (bmm with expanded bank)
    distance_ = jnp.einsum('bkd,nd->bkn', fea_near, fb)  # [B, K, N]
    _, idx_near_near = jax.lax.top_k(distance_, K + 1)
    idx_near_near = idx_near_near[:, :, 1:]          # [B, K, K]
    trg_idx_ = trg_idx[:, None, None]
    match = (idx_near_near == trg_idx_).sum(-1).astype(jnp.float32)   # [B, K]
    weight = jnp.where(match > 0.0, match, jnp.full_like(match, 0.1))
    # original code does weight_kk.fill_(0.1): replicate as constant 0.1
    weight_kk = jnp.full((features.shape[0], K * K), 0.1, dtype=jnp.float32)
    score_near_kk = scb[idx_near_near].reshape(features.shape[0], K * K, C)
    score_self = scb[trg_idx]  # computed but unused, as in original
    # ---- differentiable part ----
    output_re = jnp.broadcast_to(softmax_out[:, None, :], score_near_kk.shape)
    # F.kl_div(input, target, 'none') = target * (log(target) - input); input here is probs (as in original)
    kl1 = (score_near_kk * (jnp.log(score_near_kk) - output_re)).sum(-1)   # [B, K*K]
    const = jnp.mean((kl1 * weight_kk).sum(1))
    loss = const
    softmax_out_un = jnp.broadcast_to(softmax_out[:, None, :], score_near.shape)
    kl2 = (score_near * (jnp.log(score_near) - softmax_out_un)).sum(-1)    # [B, K]
    loss = loss + jnp.mean((kl2 * weight).sum(1))
    msoftmax = softmax_out.mean(axis=0)
    gentropy_loss = jnp.sum(msoftmax * jnp.log(msoftmax + EPS))
    loss = loss + gentropy_loss
    return loss


if False:  # reference __main__ guard neutralized (emitter)
    out = reference(**setup_inputs())
    print(out)

if __name__ == "__main__":
    import jax
    _d = setup_inputs()
    print(jax.jit(kernel)(*tuple(_d.values())))

</pallas_src>

<mosaic_0001>
#map = affine_map<(d0, d1) -> (0, 0)>
#map1 = affine_map<(d0, d1) -> (0)>
module attributes {stable_mosaic.version = 14 : i64} {
  func.func @body(%arg0: i32, %arg1: i32, %arg2: memref<51200x128xf32, #tpu.memory_space<hbm>>, %arg3: memref<2560xi32, #tpu.memory_space<hbm>>, %arg4: memref<2560x128xf32, #tpu.memory_space<hbm>>, %arg5: memref<80xi32, #tpu.memory_space<vmem>>, %arg6: memref<80x128xf32, #tpu.memory_space<vmem>>, %arg7: memref<!tpu.dma_semaphore, #tpu.memory_space<semaphore_mem>>) attributes {dimension_semantics = [#tpu.dimension_semantics<core_parallel>, #tpu.dimension_semantics<subcore_parallel>], iteration_bounds = array<i64: 2, 16>, scalar_prefetch = 0 : i64, scratch_operands = 3 : i64, tpu.core_type = #tpu.core_type<sc_vector_subcore>, window_params = [{transform_indices = #map}, {transform_indices = #map1}, {transform_indices = #map}]} {
    %mul3A = arith.constant 2 : i32
    %mul3A_0 = arith.muli %arg1, %mul3A : i32
    %add3A = arith.addi %mul3A_0, %arg0 : i32
    %mul3A_1 = arith.constant 80 : i32
    %mul3A_2 = arith.muli %add3A, %mul3A_1 : i32
    "tpu.region"() ({
      %run_scoped3A = tpu.sem_alloc : memref<!tpu.dma_semaphore, #tpu.memory_space<semaphore_mem>>
      %dma_start3A_7 = tpu.memref_slice %arg3[%mul3A_2] : memref<2560xi32, #tpu.memory_space<hbm>> -> memref<80xi32, #tpu.memory_space<hbm>>
      %dma_start3A_8 = tpu.memref_slice %arg3[%mul3A_2] : memref<2560xi32, #tpu.memory_space<hbm>> -> memref<80xi32, #tpu.memory_space<hbm>>
      tpu.enqueue_dma source(%dma_start3A_8 : memref<80xi32, #tpu.memory_space<hbm>>) target(%arg5 : memref<80xi32, #tpu.memory_space<vmem>>) target_semaphore(%run_scoped3A : memref<!tpu.dma_semaphore, #tpu.memory_space<semaphore_mem>>)
      %dma_wait3A_9 = tpu.memref_slice %arg3[%mul3A_2] : memref<2560xi32, #tpu.memory_space<hbm>> -> memref<80xi32, #tpu.memory_space<hbm>>
      %dma_wait3A_10 = tpu.memref_slice %arg3[%mul3A_2] : memref<2560xi32, #tpu.memory_space<hbm>> -> memref<80xi32, #tpu.memory_space<hbm>>
      tpu.wait_dma2 semaphore(%run_scoped3A : memref<!tpu.dma_semaphore, #tpu.memory_space<semaphore_mem>>) src(%dma_wait3A_10 : memref<80xi32, #tpu.memory_space<hbm>>) dst(%arg5 : memref<80xi32, #tpu.memory_space<vmem>>)
      tpu.yield
    }) : () -> ()
    %dma_start3A = arith.constant 0 : i32
    %dma_start3A_3 = arith.constant 0 : i32
    %dma_start3A_4 = tpu.memref_slice %arg2[%dma_start3A, %dma_start3A_3] : memref<51200x128xf32, #tpu.memory_space<hbm>> -> memref<51200x128xf32, #tpu.memory_space<hbm>>
    tpu.enqueue_indirect_dma source(%dma_start3A_4 : memref<51200x128xf32, #tpu.memory_space<hbm>>) target(%arg6 : memref<80x128xf32, #tpu.memory_space<vmem>>) offsets(%arg5 : memref<80xi32, #tpu.memory_space<vmem>>) semaphore(%arg7 : memref<!tpu.dma_semaphore, #tpu.memory_space<semaphore_mem>>)
    %dma_wait3A = arith.constant 0 : i32
    %dma_wait3A_5 = arith.constant 0 : i32
    %dma_wait3A_6 = tpu.memref_slice %arg2[%dma_wait3A, %dma_wait3A_5] : memref<51200x128xf32, #tpu.memory_space<hbm>> -> memref<51200x128xf32, #tpu.memory_space<hbm>>
    tpu.wait_indirect_dma semaphore(%arg7 : memref<!tpu.dma_semaphore, #tpu.memory_space<semaphore_mem>>) src(%dma_wait3A_6 : memref<51200x128xf32, #tpu.memory_space<hbm>>) dst(%arg6 : memref<80x128xf32, #tpu.memory_space<vmem>>)
    "tpu.region"() ({
      %run_scoped3A = tpu.sem_alloc : memref<!tpu.dma_semaphore, #tpu.memory_space<semaphore_mem>>
      %dma_start3A_7 = arith.constant 0 : i32
      %dma_start3A_8 = tpu.memref_slice %arg4[%mul3A_2, %dma_start3A_7] : memref<2560x128xf32, #tpu.memory_space<hbm>> -> memref<80x128xf32, #tpu.memory_space<hbm>>
      %dma_start3A_9 = arith.constant 0 : i32
      %dma_start3A_10 = tpu.memref_slice %arg4[%mul3A_2, %dma_start3A_9] : memref<2560x128xf32, #tpu.memory_space<hbm>> -> memref<80x128xf32, #tpu.memory_space<hbm>>
      tpu.enqueue_dma source(%arg6 : memref<80x128xf32, #tpu.memory_space<vmem>>) target(%dma_start3A_10 : memref<80x128xf32, #tpu.memory_space<hbm>>) target_semaphore(%run_scoped3A : memref<!tpu.dma_semaphore, #tpu.memory_space<semaphore_mem>>)
      %dma_wait3A_11 = arith.constant 0 : i32
      %dma_wait3A_12 = tpu.memref_slice %arg4[%mul3A_2, %dma_wait3A_11] : memref<2560x128xf32, #tpu.memory_space<hbm>> -> memref<80x128xf32, #tpu.memory_space<hbm>>
      %dma_wait3A_13 = arith.constant 0 : i32
      %dma_wait3A_14 = tpu.memref_slice %arg4[%mul3A_2, %dma_wait3A_13] : memref<2560x128xf32, #tpu.memory_space<hbm>> -> memref<80x128xf32, #tpu.memory_space<hbm>>
      tpu.wait_dma2 semaphore(%run_scoped3A : memref<!tpu.dma_semaphore, #tpu.memory_space<semaphore_mem>>) src(%arg6 : memref<80x128xf32, #tpu.memory_space<vmem>>) dst(%dma_wait3A_14 : memref<80x128xf32, #tpu.memory_space<hbm>>)
      tpu.yield
    }) : () -> ()
    return
  }
}

#map = affine_map<(d0, d1) -> (0, 0)>
#map1 = affine_map<(d0, d1) -> (0)>
module attributes {stable_mosaic.version = 14 : i64} {
  func.func @body(%arg0: i32, %arg1: i32, %arg2: memref<50000x128xf32, #tpu.memory_space<hbm>>, %arg3: memref<12800xi32, #tpu.memory_space<hbm>>, %arg4: memref<12800x128xf32, #tpu.memory_space<hbm>>, %arg5: memref<400xi32, #tpu.memory_space<vmem>>, %arg6: memref<400x128xf32, #tpu.memory_space<vmem>>, %arg7: memref<!tpu.dma_semaphore, #tpu.memory_space<semaphore_mem>>) attributes {dimension_semantics = [#tpu.dimension_semantics<core_parallel>, #tpu.dimension_semantics<subcore_parallel>], iteration_bounds = array<i64: 2, 16>, scalar_prefetch = 0 : i64, scratch_operands = 3 : i64, tpu.core_type = #tpu.core_type<sc_vector_subcore>, window_params = [{transform_indices = #map}, {transform_indices = #map1}, {transform_indices = #map}]} {
    %mul3A = arith.constant 2 : i32
    %mul3A_0 = arith.muli %arg1, %mul3A : i32
    %add3A = arith.addi %mul3A_0, %arg0 : i32
    %mul3A_1 = arith.constant 400 : i32
    %mul3A_2 = arith.muli %add3A, %mul3A_1 : i32
    "tpu.region"() ({
      %run_scoped3A = tpu.sem_alloc : memref<!tpu.dma_semaphore, #tpu.memory_space<semaphore_mem>>
      %dma_start3A_7 = tpu.memref_slice %arg3[%mul3A_2] : memref<12800xi32, #tpu.memory_space<hbm>> -> memref<400xi32, #tpu.memory_space<hbm>>
      %dma_start3A_8 = tpu.memref_slice %arg3[%mul3A_2] : memref<12800xi32, #tpu.memory_space<hbm>> -> memref<400xi32, #tpu.memory_space<hbm>>
      tpu.enqueue_dma source(%dma_start3A_8 : memref<400xi32, #tpu.memory_space<hbm>>) target(%arg5 : memref<400xi32, #tpu.memory_space<vmem>>) target_semaphore(%run_scoped3A : memref<!tpu.dma_semaphore, #tpu.memory_space<semaphore_mem>>)
      %dma_wait3A_9 = tpu.memref_slice %arg3[%mul3A_2] : memref<12800xi32, #tpu.memory_space<hbm>> -> memref<400xi32, #tpu.memory_space<hbm>>
      %dma_wait3A_10 = tpu.memref_slice %arg3[%mul3A_2] : memref<12800xi32, #tpu.memory_space<hbm>> -> memref<400xi32, #tpu.memory_space<hbm>>
      tpu.wait_dma2 semaphore(%run_scoped3A : memref<!tpu.dma_semaphore, #tpu.memory_space<semaphore_mem>>) src(%dma_wait3A_10 : memref<400xi32, #tpu.memory_space<hbm>>) dst(%arg5 : memref<400xi32, #tpu.memory_space<vmem>>)
      tpu.yield
    }) : () -> ()
    %dma_start3A = arith.constant 0 : i32
    %dma_start3A_3 = arith.constant 0 : i32
    %dma_start3A_4 = tpu.memref_slice %arg2[%dma_start3A, %dma_start3A_3] : memref<50000x128xf32, #tpu.memory_space<hbm>> -> memref<50000x128xf32, #tpu.memory_space<hbm>>
    tpu.enqueue_indirect_dma source(%dma_start3A_4 : memref<50000x128xf32, #tpu.memory_space<hbm>>) target(%arg6 : memref<400x128xf32, #tpu.memory_space<vmem>>) offsets(%arg5 : memref<400xi32, #tpu.memory_space<vmem>>) semaphore(%arg7 : memref<!tpu.dma_semaphore, #tpu.memory_space<semaphore_mem>>)
    %dma_wait3A = arith.constant 0 : i32
    %dma_wait3A_5 = arith.constant 0 : i32
    %dma_wait3A_6 = tpu.memref_slice %arg2[%dma_wait3A, %dma_wait3A_5] : memref<50000x128xf32, #tpu.memory_space<hbm>> -> memref<50000x128xf32, #tpu.memory_space<hbm>>
    tpu.wait_indirect_dma semaphore(%arg7 : memref<!tpu.dma_semaphore, #tpu.memory_space<semaphore_mem>>) src(%dma_wait3A_6 : memref<50000x128xf32, #tpu.memory_space<hbm>>) dst(%arg6 : memref<400x128xf32, #tpu.memory_space<vmem>>)
    "tpu.region"() ({
      %run_scoped3A = tpu.sem_alloc : memref<!tpu.dma_semaphore, #tpu.memory_space<semaphore_mem>>
      %dma_start3A_7 = arith.constant 0 : i32
      %dma_start3A_8 = tpu.memref_slice %arg4[%mul3A_2, %dma_start3A_7] : memref<12800x128xf32, #tpu.memory_space<hbm>> -> memref<400x128xf32, #tpu.memory_space<hbm>>
      %dma_start3A_9 = arith.constant 0 : i32
      %dma_start3A_10 = tpu.memref_slice %arg4[%mul3A_2, %dma_start3A_9] : memref<12800x128xf32, #tpu.memory_space<hbm>> -> memref<400x128xf32, #tpu.memory_space<hbm>>
      tpu.enqueue_dma source(%arg6 : memref<400x128xf32, #tpu.memory_space<vmem>>) target(%dma_start3A_10 : memref<400x128xf32, #tpu.memory_space<hbm>>) target_semaphore(%run_scoped3A : memref<!tpu.dma_semaphore, #tpu.memory_space<semaphore_mem>>)
      %dma_wait3A_11 = arith.constant 0 : i32
      %dma_wait3A_12 = tpu.memref_slice %arg4[%mul3A_2, %dma_wait3A_11] : memref<12800x128xf32, #tpu.memory_space<hbm>> -> memref<400x128xf32, #tpu.memory_space<hbm>>
      %dma_wait3A_13 = arith.constant 0 : i32
      %dma_wait3A_14 = tpu.memref_slice %arg4[%mul3A_2, %dma_wait3A_13] : memref<12800x128xf32, #tpu.memory_space<hbm>> -> memref<400x128xf32, #tpu.memory_space<hbm>>
      tpu.wait_dma2 semaphore(%run_scoped3A : memref<!tpu.dma_semaphore, #tpu.memory_space<semaphore_mem>>) src(%arg6 : memref<400x128xf32, #tpu.memory_space<vmem>>) dst(%dma_wait3A_14 : memref<400x128xf32, #tpu.memory_space<hbm>>)
      tpu.yield
    }) : () -> ()
    return
  }
}

#map = affine_map<(d0, d1) -> (0, 0)>
#map1 = affine_map<(d0, d1) -> (0)>
module attributes {stable_mosaic.version = 14 : i64} {
  func.func @body(%arg0: i32, %arg1: i32, %arg2: memref<50000x128xf32, #tpu.memory_space<hbm>>, %arg3: memref<2560xi32, #tpu.memory_space<hbm>>, %arg4: memref<2560x128xf32, #tpu.memory_space<hbm>>, %arg5: memref<80xi32, #tpu.memory_space<vmem>>, %arg6: memref<80x128xf32, #tpu.memory_space<vmem>>, %arg7: memref<!tpu.dma_semaphore, #tpu.memory_space<semaphore_mem>>) attributes {dimension_semantics = [#tpu.dimension_semantics<core_parallel>, #tpu.dimension_semantics<subcore_parallel>], iteration_bounds = array<i64: 2, 16>, scalar_prefetch = 0 : i64, scratch_operands = 3 : i64, tpu.core_type = #tpu.core_type<sc_vector_subcore>, window_params = [{transform_indices = #map}, {transform_indices = #map1}, {transform_indices = #map}]} {
    %mul3A = arith.constant 2 : i32
    %mul3A_0 = arith.muli %arg1, %mul3A : i32
    %add3A = arith.addi %mul3A_0, %arg0 : i32
    %mul3A_1 = arith.constant 80 : i32
    %mul3A_2 = arith.muli %add3A, %mul3A_1 : i32
    "tpu.region"() ({
      %run_scoped3A = tpu.sem_alloc : memref<!tpu.dma_semaphore, #tpu.memory_space<semaphore_mem>>
      %dma_start3A_7 = tpu.memref_slice %arg3[%mul3A_2] : memref<2560xi32, #tpu.memory_space<hbm>> -> memref<80xi32, #tpu.memory_space<hbm>>
      %dma_start3A_8 = tpu.memref_slice %arg3[%mul3A_2] : memref<2560xi32, #tpu.memory_space<hbm>> -> memref<80xi32, #tpu.memory_space<hbm>>
      tpu.enqueue_dma source(%dma_start3A_8 : memref<80xi32, #tpu.memory_space<hbm>>) target(%arg5 : memref<80xi32, #tpu.memory_space<vmem>>) target_semaphore(%run_scoped3A : memref<!tpu.dma_semaphore, #tpu.memory_space<semaphore_mem>>)
      %dma_wait3A_9 = tpu.memref_slice %arg3[%mul3A_2] : memref<2560xi32, #tpu.memory_space<hbm>> -> memref<80xi32, #tpu.memory_space<hbm>>
      %dma_wait3A_10 = tpu.memref_slice %arg3[%mul3A_2] : memref<2560xi32, #tpu.memory_space<hbm>> -> memref<80xi32, #tpu.memory_space<hbm>>
      tpu.wait_dma2 semaphore(%run_scoped3A : memref<!tpu.dma_semaphore, #tpu.memory_space<semaphore_mem>>) src(%dma_wait3A_10 : memref<80xi32, #tpu.memory_space<hbm>>) dst(%arg5 : memref<80xi32, #tpu.memory_space<vmem>>)
      tpu.yield
    }) : () -> ()
    %dma_start3A = arith.constant 0 : i32
    %dma_start3A_3 = arith.constant 0 : i32
    %dma_start3A_4 = tpu.memref_slice %arg2[%dma_start3A, %dma_start3A_3] : memref<50000x128xf32, #tpu.memory_space<hbm>> -> memref<50000x128xf32, #tpu.memory_space<hbm>>
    tpu.enqueue_indirect_dma source(%dma_start3A_4 : memref<50000x128xf32, #tpu.memory_space<hbm>>) target(%arg6 : memref<80x128xf32, #tpu.memory_space<vmem>>) offsets(%arg5 : memref<80xi32, #tpu.memory_space<vmem>>) semaphore(%arg7 : memref<!tpu.dma_semaphore, #tpu.memory_space<semaphore_mem>>)
    %dma_wait3A = arith.constant 0 : i32
    %dma_wait3A_5 = arith.constant 0 : i32
    %dma_wait3A_6 = tpu.memref_slice %arg2[%dma_wait3A, %dma_wait3A_5] : memref<50000x128xf32, #tpu.memory_space<hbm>> -> memref<50000x128xf32, #tpu.memory_space<hbm>>
    tpu.wait_indirect_dma semaphore(%arg7 : memref<!tpu.dma_semaphore, #tpu.memory_space<semaphore_mem>>) src(%dma_wait3A_6 : memref<50000x128xf32, #tpu.memory_space<hbm>>) dst(%arg6 : memref<80x128xf32, #tpu.memory_space<vmem>>)
    "tpu.region"() ({
      %run_scoped3A = tpu.sem_alloc : memref<!tpu.dma_semaphore, #tpu.memory_space<semaphore_mem>>
      %dma_start3A_7 = arith.constant 0 : i32
      %dma_start3A_8 = tpu.memref_slice %arg4[%mul3A_2, %dma_start3A_7] : memref<2560x128xf32, #tpu.memory_space<hbm>> -> memref<80x128xf32, #tpu.memory_space<hbm>>
      %dma_start3A_9 = arith.constant 0 : i32
      %dma_start3A_10 = tpu.memref_slice %arg4[%mul3A_2, %dma_start3A_9] : memref<2560x128xf32, #tpu.memory_space<hbm>> -> memref<80x128xf32, #tpu.memory_space<hbm>>
      tpu.enqueue_dma source(%arg6 : memref<80x128xf32, #tpu.memory_space<vmem>>) target(%dma_start3A_10 : memref<80x128xf32, #tpu.memory_space<hbm>>) target_semaphore(%run_scoped3A : memref<!tpu.dma_semaphore, #tpu.memory_space<semaphore_mem>>)
      %dma_wait3A_11 = arith.constant 0 : i32
      %dma_wait3A_12 = tpu.memref_slice %arg4[%mul3A_2, %dma_wait3A_11] : memref<2560x128xf32, #tpu.memory_space<hbm>> -> memref<80x128xf32, #tpu.memory_space<hbm>>
      %dma_wait3A_13 = arith.constant 0 : i32
      %dma_wait3A_14 = tpu.memref_slice %arg4[%mul3A_2, %dma_wait3A_13] : memref<2560x128xf32, #tpu.memory_space<hbm>> -> memref<80x128xf32, #tpu.memory_space<hbm>>
      tpu.wait_dma2 semaphore(%run_scoped3A : memref<!tpu.dma_semaphore, #tpu.memory_space<semaphore_mem>>) src(%arg6 : memref<80x128xf32, #tpu.memory_space<vmem>>) dst(%dma_wait3A_14 : memref<80x128xf32, #tpu.memory_space<hbm>>)
      tpu.yield
    }) : () -> ()
    return
  }
}

module attributes {stable_mosaic.version = 14 : i64} {
  func.func @_prep_body(%arg0: memref<512x128xf32, #tpu.memory_space<vmem>>, %arg1: memref<512x16xf32, #tpu.memory_space<vmem>>, %arg2: memref<512x128xf32, #tpu.memory_space<vmem>>, %arg3: memref<512x16xf32, #tpu.memory_space<vmem>>) attributes {dimension_semantics = [], scalar_prefetch = 0 : i64, scratch_operands = 0 : i64, tpu.core_type = #tpu.core_type<tc>} {
    %get3A = arith.constant 0 : index
    %get3A_0 = arith.constant 0 : index
    %get3A_1 = vector.load %arg0[%get3A, %get3A_0] : memref<512x128xf32, #tpu.memory_space<vmem>>, vector<512x128xf32>
    %mul3A = arith.mulf %get3A_1, %get3A_1 : vector<512x128xf32>
    %reduce_sum3A = arith.constant dense<0.000000e+00> : vector<512xf32>
    %reduce_sum3A_2 = vector.multi_reduction <add>, %mul3A, %reduce_sum3A [1] : vector<512x128xf32> to vector<512xf32>
    %broadcast_in_dim3A = vector.shape_cast %reduce_sum3A_2 : vector<512xf32> to vector<512x1xf32>
    %sqrt3A = math.sqrt %broadcast_in_dim3A : vector<512x1xf32>
    %max3A = arith.constant 9.99999996E-13 : f32
    %max3A_3 = vector.broadcast %max3A : f32 to vector<512x1xf32>
    %max3A_4 = arith.maximumf %sqrt3A, %max3A_3 : vector<512x1xf32>
    %div3A = vector.broadcast %max3A_4 : vector<512x1xf32> to vector<512x128xf32>
    %div3A_5 = arith.divf %get3A_1, %div3A : vector<512x128xf32>
    %swap3A = arith.constant 0 : index
    %swap3A_6 = arith.constant 0 : index
    %swap3A_7 = vector.load %arg2[%swap3A, %swap3A_6] : memref<512x128xf32, #tpu.memory_space<vmem>>, vector<512x128xf32>
    tpu.vector_store %arg2[%swap3A, %swap3A_6], %div3A_5 {strides = array<i32>} : memref<512x128xf32, #tpu.memory_space<vmem>>, vector<512x128xf32>,
    %get3A_8 = arith.constant 0 : index
    %get3A_9 = arith.constant 0 : index
    %get3A_10 = vector.load %arg1[%get3A_8, %get3A_9] : memref<512x16xf32, #tpu.memory_space<vmem>>, vector<512x16xf32>
    %reduce_max3A = arith.constant dense<0xFF800000> : vector<512xf32>
    %reduce_max3A_11 = vector.multi_reduction <maximumf>, %get3A_10, %reduce_max3A [1] : vector<512x16xf32> to vector<512xf32>
    %broadcast_in_dim3A_12 = vector.shape_cast %reduce_max3A_11 : vector<512xf32> to vector<512x1xf32>
    %sub3A = vector.broadcast %broadcast_in_dim3A_12 : vector<512x1xf32> to vector<512x16xf32>
    %sub3A_13 = arith.subf %get3A_10, %sub3A : vector<512x16xf32>
    %exp3A = math.exp %sub3A_13 : vector<512x16xf32>
    %reduce_sum3A_14 = arith.constant dense<0.000000e+00> : vector<512xf32>
    %reduce_sum3A_15 = vector.multi_reduction <add>, %exp3A, %reduce_sum3A_14 [1] : vector<512x16xf32> to vector<512xf32>
    %broadcast_in_dim3A_16 = vector.shape_cast %reduce_sum3A_15 : vector<512xf32> to vector<512x1xf32>
    %div3A_17 = vector.broadcast %broadcast_in_dim3A_16 : vector<512x1xf32> to vector<512x16xf32>
    %div3A_18 = arith.divf %exp3A, %div3A_17 : vector<512x16xf32>
    %swap3A_19 = arith.constant 0 : index
    %swap3A_20 = arith.constant 0 : index
    %swap3A_21 = vector.load %arg3[%swap3A_19, %swap3A_20] : memref<512x16xf32, #tpu.memory_space<vmem>>, vector<512x16xf32>
    tpu.vector_store %arg3[%swap3A_19, %swap3A_20], %div3A_18 {strides = array<i32>} : memref<512x16xf32, #tpu.memory_space<vmem>>, vector<512x16xf32>,
    return
  }
}

module attributes {stable_mosaic.version = 14 : i64} {
  func.func @_scatter_body(%arg0: i32, %arg1: memref<512xi32, #tpu.memory_space<smem>>, %arg2: memref<1x1x128xf32, #tpu.memory_space<vmem>>, %arg3: memref<1x1x128xf32, #tpu.memory_space<vmem>>, %arg4: memref<51200x1x128xf32, #tpu.memory_space<any>>, %arg5: memref<50000x1x128xf32, #tpu.memory_space<any>>, %arg6: memref<1x1x128xf32, #tpu.memory_space<vmem>>, %arg7: memref<1x1x128xf32, #tpu.memory_space<vmem>>) attributes {dimension_semantics = [#tpu.dimension_semantics<arbitrary>], iteration_bounds = array<i64: 512>, scalar_prefetch = 1 : i64, scratch_operands = 0 : i64, tpu.core_type = #tpu.core_type<tc>, window_params = [{transform_indices = @transform_0, window_bounds = array<i64: 1, 1, 128>}, {transform_indices = @transform_1, window_bounds = array<i64: 1, 1, 128>}, {}, {}, {transform_indices = @transform_4, window_bounds = array<i64: 1, 1, 128>}, {transform_indices = @transform_5, window_bounds = array<i64: 1, 1, 128>}]} {
    %get3A = arith.constant 0 : index
    %get3A_0 = arith.constant 0 : index
    %get3A_1 = arith.constant 0 : index
    %get3A_2 = vector.load %arg2[%get3A, %get3A_0, %get3A_1] : memref<1x1x128xf32, #tpu.memory_space<vmem>>, vector<1x1x128xf32>
    %swap3A = arith.constant 0 : index
    %swap3A_3 = arith.constant 0 : index
    %swap3A_4 = arith.constant 0 : index
    %swap3A_5 = vector.load %arg6[%swap3A, %swap3A_3, %swap3A_4] : memref<1x1x128xf32, #tpu.memory_space<vmem>>, vector<1x1x128xf32>
    tpu.vector_store %arg6[%swap3A, %swap3A_3, %swap3A_4], %get3A_2 {strides = array<i32>} : memref<1x1x128xf32, #tpu.memory_space<vmem>>, vector<1x1x128xf32>,
    %get3A_6 = arith.constant 0 : index
    %get3A_7 = arith.constant 0 : index
    %get3A_8 = arith.constant 0 : index
    %get3A_9 = vector.load %arg3[%get3A_6, %get3A_7, %get3A_8] : memref<1x1x128xf32, #tpu.memory_space<vmem>>, vector<1x1x128xf32>
    %swap3A_10 = arith.constant 0 : index
    %swap3A_11 = arith.constant 0 : index
    %swap3A_12 = arith.constant 0 : index
    %swap3A_13 = vector.load %arg7[%swap3A_10, %swap3A_11, %swap3A_12] : memref<1x1x128xf32, #tpu.memory_space<vmem>>, vector<1x1x128xf32>
    tpu.vector_store %arg7[%swap3A_10, %swap3A_11, %swap3A_12], %get3A_9 {strides = array<i32>} : memref<1x1x128xf32, #tpu.memory_space<vmem>>, vector<1x1x128xf32>,
    return
  }
  func.func @transform_0(%arg0: i32, %arg1: memref<512xi32, #tpu.memory_space<smem>>) -> (i32, i32, i32) {
    %c0_i32 = arith.constant 0 : i32
    %c0_i32_0 = arith.constant 0 : i32
    %c0_i32_1 = arith.constant 0 : i32
    return %arg0, %c0_i32, %c0_i32_0 : i32, i32, i32
  }
  func.func @transform_1(%arg0: i32, %arg1: memref<512xi32, #tpu.memory_space<smem>>) -> (i32, i32, i32) {
    %c0_i32 = arith.constant 0 : i32
    %c0_i32_0 = arith.constant 0 : i32
    %c0_i32_1 = arith.constant 0 : i32
    return %arg0, %c0_i32, %c0_i32_0 : i32, i32, i32
  }
  func.func @transform_4(%arg0: i32, %arg1: memref<512xi32, #tpu.memory_space<smem>>) -> (i32, i32, i32) {
    %get3A = arith.index_cast %arg0 : i32 to index
    %get3A_0 = memref.load %arg1[%get3A] : memref<512xi32, #tpu.memory_space<smem>>
    %c0_i32 = arith.constant 0 : i32
    %c0_i32_1 = arith.constant 0 : i32
    %c0_i32_2 = arith.constant 0 : i32
    return %get3A_0, %c0_i32, %c0_i32_1 : i32, i32, i32
  }
  func.func @transform_5(%arg0: i32, %arg1: memref<512xi32, #tpu.memory_space<smem>>) -> (i32, i32, i32) {
    %get3A = arith.index_cast %arg0 : i32 to index
    %get3A_0 = memref.load %arg1[%get3A] : memref<512xi32, #tpu.memory_space<smem>>
    %c0_i32 = arith.constant 0 : i32
    %c0_i32_1 = arith.constant 0 : i32
    %c0_i32_2 = arith.constant 0 : i32
    return %get3A_0, %c0_i32, %c0_i32_1 : i32, i32, i32
  }
}

module attributes {stable_mosaic.version = 14 : i64} {
  func.func @_hop_body(%arg0: i32, %arg1: i32, %arg2: memref<512x128xf32, #tpu.memory_space<vmem>>, %arg3: memref<5120x128xf32, #tpu.memory_space<vmem>>, %arg4: memref<1x1x512x6xf32, #tpu.memory_space<vmem>>, %arg5: memref<1x1x512x6xi32, #tpu.memory_space<vmem>>) attributes {dimension_semantics = [#tpu.dimension_semantics<arbitrary>, #tpu.dimension_semantics<arbitrary>], iteration_bounds = array<i64: 1, 10>, scalar_prefetch = 0 : i64, scratch_operands = 0 : i64, tpu.core_type = #tpu.core_type<tc>, window_params = [{transform_indices = @transform_0, window_bounds = array<i64: 512, 128>}, {transform_indices = @transform_1, window_bounds = array<i64: 5120, 128>}, {transform_indices = @transform_2, window_bounds = array<i64: 1, 1, 512, 6>}, {transform_indices = @transform_3, window_bounds = array<i64: 1, 1, 512, 6>}]} {
    %get3A = arith.constant 0 : index
    %get3A_0 = arith.constant 0 : index
    %get3A_1 = vector.load %arg2[%get3A, %get3A_0] : memref<512x128xf32, #tpu.memory_space<vmem>>, vector<512x128xf32>
    %get3A_2 = arith.constant 0 : index
    %get3A_3 = arith.constant 0 : index
    %get3A_4 = vector.load %arg3[%get3A_2, %get3A_3] : memref<5120x128xf32, #tpu.memory_space<vmem>>, vector<5120x128xf32>
    %dot_general3A = arith.constant dense<0.000000e+00> : vector<512x5120xf32>
    %dot_general3A_5 = tpu.matmul %get3A_1, %get3A_4, %dot_general3A {dimension_numbers = #tpu.dot_dimension_numbers<[1], [1], [0], [0], [0, 0, 1, 0], [], []>, precision = #tpu.contract_precision<fp32>, transpose_lhs_hint = false} : vector<512x128xf32>, vector<5120x128xf32>, vector<512x5120xf32> -> vector<512x5120xf32>
    %mul3A = arith.constant 5120 : i32
    %mul3A_6 = arith.muli %arg1, %mul3A : i32
    %iota3A = tpu.iota {dimensions = array<i32: 1>} : vector<512x5120xi32>
    %reduce_max3A = arith.constant dense<0xFF800000> : vector<512xf32>
    %reduce_max3A_7 = vector.multi_reduction <maximumf>, %dot_general3A_5, %reduce_max3A [1] : vector<512x5120xf32> to vector<512xf32>
    %broadcast_in_dim3A = vector.shape_cast %reduce_max3A_7 : vector<512xf32> to vector<512x1xf32>
    %eq3A = vector.broadcast %broadcast_in_dim3A : vector<512x1xf32> to vector<512x5120xf32>
    %eq3A_8 = arith.cmpf oeq, %dot_general3A_5, %eq3A : vector<512x5120xf32>
    %jit3A = arith.constant 2147483647 : i32
    %broadcast_in_dim3A_9 = vector.broadcast %jit3A : i32 to vector<512x5120xi32>
    %select_n3A = arith.select %eq3A_8, %iota3A, %broadcast_in_dim3A_9 : vector<512x5120xi1>, vector<512x5120xi32>
    %reduce_min3A = arith.constant dense<2147483647> : vector<512xi32>
    %reduce_min3A_10 = vector.multi_reduction <minsi>, %select_n3A, %reduce_min3A [1] : vector<512x5120xi32> to vector<512xi32>
    %broadcast_in_dim3A_11 = vector.shape_cast %reduce_min3A_10 : vector<512xi32> to vector<512x1xi32>
    %squeeze3A = vector.shape_cast %broadcast_in_dim3A : vector<512x1xf32> to vector<512xf32>
    %squeeze3A_12 = vector.shape_cast %broadcast_in_dim3A_11 : vector<512x1xi32> to vector<512xi32>
    %add3A = vector.broadcast %mul3A_6 : i32 to vector<512xi32>
    %add3A_13 = arith.addi %add3A, %squeeze3A_12 : vector<512xi32>
    %eq3A_14 = vector.broadcast %broadcast_in_dim3A_11 : vector<512x1xi32> to vector<512x5120xi32>
    %eq3A_15 = arith.cmpi eq, %iota3A, %eq3A_14 : vector<512x5120xi32>
    %jit3A_16 = arith.constant 0xFF800000 : f32
    %broadcast_in_dim3A_17 = vector.broadcast %jit3A_16 : f32 to vector<512x5120xf32>
    %select_n3A_18 = arith.select %eq3A_15, %broadcast_in_dim3A_17, %dot_general3A_5 : vector<512x5120xi1>, vector<512x5120xf32>
    %reduce_max3A_19 = arith.constant dense<0xFF800000> : vector<512xf32>
    %reduce_max3A_20 = vector.multi_reduction <maximumf>, %select_n3A_18, %reduce_max3A_19 [1] : vector<512x5120xf32> to vector<512xf32>
    %broadcast_in_dim3A_21 = vector.shape_cast %reduce_max3A_20 : vector<512xf32> to vector<512x1xf32>
    %eq3A_22 = vector.broadcast %broadcast_in_dim3A_21 : vector<512x1xf32> to vector<512x5120xf32>
    %eq3A_23 = arith.cmpf oeq, %select_n3A_18, %eq3A_22 : vector<512x5120xf32>
    %jit3A_24 = arith.constant 2147483647 : i32
    %broadcast_in_dim3A_25 = vector.broadcast %jit3A_24 : i32 to vector<512x5120xi32>
    %select_n3A_26 = arith.select %eq3A_23, %iota3A, %broadcast_in_dim3A_25 : vector<512x5120xi1>, vector<512x5120xi32>
    %reduce_min3A_27 = arith.constant dense<2147483647> : vector<512xi32>
    %reduce_min3A_28 = vector.multi_reduction <minsi>, %select_n3A_26, %reduce_min3A_27 [1] : vector<512x5120xi32> to vector<512xi32>
    %broadcast_in_dim3A_29 = vector.shape_cast %reduce_min3A_28 : vector<512xi32> to vector<512x1xi32>
    %squeeze3A_30 = vector.shape_cast %broadcast_in_dim3A_21 : vector<512x1xf32> to vector<512xf32>
    %squeeze3A_31 = vector.shape_cast %broadcast_in_dim3A_29 : vector<512x1xi32> to vector<512xi32>
    %add3A_32 = vector.broadcast %mul3A_6 : i32 to vector<512xi32>
    %add3A_33 = arith.addi %add3A_32, %squeeze3A_31 : vector<512xi32>
    %eq3A_34 = vector.broadcast %broadcast_in_dim3A_29 : vector<512x1xi32> to vector<512x5120xi32>
    %eq3A_35 = arith.cmpi eq, %iota3A, %eq3A_34 : vector<512x5120xi32>
    %jit3A_36 = arith.constant 0xFF800000 : f32
    %broadcast_in_dim3A_37 = vector.broadcast %jit3A_36 : f32 to vector<512x5120xf32>
    %select_n3A_38 = arith.select %eq3A_35, %broadcast_in_dim3A_37, %select_n3A_18 : vector<512x5120xi1>, vector<512x5120xf32>
    %reduce_max3A_39 = arith.constant dense<0xFF800000> : vector<512xf32>
    %reduce_max3A_40 = vector.multi_reduction <maximumf>, %select_n3A_38, %reduce_max3A_39 [1] : vector<512x5120xf32> to vector<512xf32>
    %broadcast_in_dim3A_41 = vector.shape_cast %reduce_max3A_40 : vector<512xf32> to vector<512x1xf32>
    %eq3A_42 = vector.broadcast %broadcast_in_dim3A_41 : vector<512x1xf32> to vector<512x5120xf32>
    %eq3A_43 = arith.cmpf oeq, %select_n3A_38, %eq3A_42 : vector<512x5120xf32>
    %jit3A_44 = arith.constant 2147483647 : i32
    %broadcast_in_dim3A_45 = vector.broadcast %jit3A_44 : i32 to vector<512x5120xi32>
    %select_n3A_46 = arith.select %eq3A_43, %iota3A, %broadcast_in_dim3A_45 : vector<512x5120xi1>, vector<512x5120xi32>
    %reduce_min3A_47 = arith.constant dense<2147483647> : vector<512xi32>
    %reduce_min3A_48 = vector.multi_reduction <minsi>, %select_n3A_46, %reduce_min3A_47 [1] : vector<512x5120xi32> to vector<512xi32>
    %broadcast_in_dim3A_49 = vector.shape_cast %reduce_min3A_48 : vector<512xi32> to vector<512x1xi32>
    %squeeze3A_50 = vector.shape_cast %broadcast_in_dim3A_41 : vector<512x1xf32> to vector<512xf32>
    %squeeze3A_51 = vector.shape_cast %broadcast_in_dim3A_49 : vector<512x1xi32> to vector<512xi32>
    %add3A_52 = vector.broadcast %mul3A_6 : i32 to vector<512xi32>
    %add3A_53 = arith.addi %add3A_52, %squeeze3A_51 : vector<512xi32>
    %eq3A_54 = vector.broadcast %broadcast_in_dim3A_49 : vector<512x1xi32> to vector<512x5120xi32>
    %eq3A_55 = arith.cmpi eq, %iota3A, %eq3A_54 : vector<512x5120xi32>
    %jit3A_56 = arith.constant 0xFF800000 : f32
    %broadcast_in_dim3A_57 = vector.broadcast %jit3A_56 : f32 to vector<512x5120xf32>
    %select_n3A_58 = arith.select %eq3A_55, %broadcast_in_dim3A_57, %select_n3A_38 : vector<512x5120xi1>, vector<512x5120xf32>
    %reduce_max3A_59 = arith.constant dense<0xFF800000> : vector<512xf32>
    %reduce_max3A_60 = vector.multi_reduction <maximumf>, %select_n3A_58, %reduce_max3A_59 [1] : vector<512x5120xf32> to vector<512xf32>
    %broadcast_in_dim3A_61 = vector.shape_cast %reduce_max3A_60 : vector<512xf32> to vector<512x1xf32>
    %eq3A_62 = vector.broadcast %broadcast_in_dim3A_61 : vector<512x1xf32> to vector<512x5120xf32>
    %eq3A_63 = arith.cmpf oeq, %select_n3A_58, %eq3A_62 : vector<512x5120xf32>
    %jit3A_64 = arith.constant 2147483647 : i32
    %broadcast_in_dim3A_65 = vector.broadcast %jit3A_64 : i32 to vector<512x5120xi32>
    %select_n3A_66 = arith.select %eq3A_63, %iota3A, %broadcast_in_dim3A_65 : vector<512x5120xi1>, vector<512x5120xi32>
    %reduce_min3A_67 = arith.constant dense<2147483647> : vector<512xi32>
    %reduce_min3A_68 = vector.multi_reduction <minsi>, %select_n3A_66, %reduce_min3A_67 [1] : vector<512x5120xi32> to vector<512xi32>
    %broadcast_in_dim3A_69 = vector.shape_cast %reduce_min3A_68 : vector<512xi32> to vector<512x1xi32>
    %squeeze3A_70 = vector.shape_cast %broadcast_in_dim3A_61 : vector<512x1xf32> to vector<512xf32>
    %squeeze3A_71 = vector.shape_cast %broadcast_in_dim3A_69 : vector<512x1xi32> to vector<512xi32>
    %add3A_72 = vector.broadcast %mul3A_6 : i32 to vector<512xi32>
    %add3A_73 = arith.addi %add3A_72, %squeeze3A_71 : vector<512xi32>
    %eq3A_74 = vector.broadcast %broadcast_in_dim3A_69 : vector<512x1xi32> to vector<512x5120xi32>
    %eq3A_75 = arith.cmpi eq, %iota3A, %eq3A_74 : vector<512x5120xi32>
    %jit3A_76 = arith.constant 0xFF800000 : f32
    %broadcast_in_dim3A_77 = vector.broadcast %jit3A_76 : f32 to vector<512x5120xf32>
    %select_n3A_78 = arith.select %eq3A_75, %broadcast_in_dim3A_77, %select_n3A_58 : vector<512x5120xi1>, vector<512x5120xf32>
    %reduce_max3A_79 = arith.constant dense<0xFF800000> : vector<512xf32>
    %reduce_max3A_80 = vector.multi_reduction <maximumf>, %select_n3A_78, %reduce_max3A_79 [1] : vector<512x5120xf32> to vector<512xf32>
    %broadcast_in_dim3A_81 = vector.shape_cast %reduce_max3A_80 : vector<512xf32> to vector<512x1xf32>
    %eq3A_82 = vector.broadcast %broadcast_in_dim3A_81 : vector<512x1xf32> to vector<512x5120xf32>
    %eq3A_83 = arith.cmpf oeq, %select_n3A_78, %eq3A_82 : vector<512x5120xf32>
    %jit3A_84 = arith.constant 2147483647 : i32
    %broadcast_in_dim3A_85 = vector.broadcast %jit3A_84 : i32 to vector<512x5120xi32>
    %select_n3A_86 = arith.select %eq3A_83, %iota3A, %broadcast_in_dim3A_85 : vector<512x5120xi1>, vector<512x5120xi32>
    %reduce_min3A_87 = arith.constant dense<2147483647> : vector<512xi32>
    %reduce_min3A_88 = vector.multi_reduction <minsi>, %select_n3A_86, %reduce_min3A_87 [1] : vector<512x5120xi32> to vector<512xi32>
    %broadcast_in_dim3A_89 = vector.shape_cast %reduce_min3A_88 : vector<512xi32> to vector<512x1xi32>
    %squeeze3A_90 = vector.shape_cast %broadcast_in_dim3A_81 : vector<512x1xf32> to vector<512xf32>
    %squeeze3A_91 = vector.shape_cast %broadcast_in_dim3A_89 : vector<512x1xi32> to vector<512xi32>
    %add3A_92 = vector.broadcast %mul3A_6 : i32 to vector<512xi32>
    %add3A_93 = arith.addi %add3A_92, %squeeze3A_91 : vector<512xi32>
    %eq3A_94 = vector.broadcast %broadcast_in_dim3A_89 : vector<512x1xi32> to vector<512x5120xi32>
    %eq3A_95 = arith.cmpi eq, %iota3A, %eq3A_94 : vector<512x5120xi32>
    %jit3A_96 = arith.constant 0xFF800000 : f32
    %broadcast_in_dim3A_97 = vector.broadcast %jit3A_96 : f32 to vector<512x5120xf32>
    %select_n3A_98 = arith.select %eq3A_95, %broadcast_in_dim3A_97, %select_n3A_78 : vector<512x5120xi1>, vector<512x5120xf32>
    %reduce_max3A_99 = arith.constant dense<0xFF800000> : vector<512xf32>
    %reduce_max3A_100 = vector.multi_reduction <maximumf>, %select_n3A_98, %reduce_max3A_99 [1] : vector<512x5120xf32> to vector<512xf32>
    %broadcast_in_dim3A_101 = vector.shape_cast %reduce_max3A_100 : vector<512xf32> to vector<512x1xf32>
    %eq3A_102 = vector.broadcast %broadcast_in_dim3A_101 : vector<512x1xf32> to vector<512x5120xf32>
    %eq3A_103 = arith.cmpf oeq, %select_n3A_98, %eq3A_102 : vector<512x5120xf32>
    %jit3A_104 = arith.constant 2147483647 : i32
    %broadcast_in_dim3A_105 = vector.broadcast %jit3A_104 : i32 to vector<512x5120xi32>
    %select_n3A_106 = arith.select %eq3A_103, %iota3A, %broadcast_in_dim3A_105 : vector<512x5120xi1>, vector<512x5120xi32>
    %reduce_min3A_107 = arith.constant dense<2147483647> : vector<512xi32>
    %reduce_min3A_108 = vector.multi_reduction <minsi>, %select_n3A_106, %reduce_min3A_107 [1] : vector<512x5120xi32> to vector<512xi32>
    %broadcast_in_dim3A_109 = vector.shape_cast %reduce_min3A_108 : vector<512xi32> to vector<512x1xi32>
    %squeeze3A_110 = vector.shape_cast %broadcast_in_dim3A_101 : vector<512x1xf32> to vector<512xf32>
    %squeeze3A_111 = vector.shape_cast %broadcast_in_dim3A_109 : vector<512x1xi32> to vector<512xi32>
    %add3A_112 = vector.broadcast %mul3A_6 : i32 to vector<512xi32>
    %add3A_113 = arith.addi %add3A_112, %squeeze3A_111 : vector<512xi32>
    %stack3A = vector.shape_cast %squeeze3A : vector<512xf32> to vector<512x1xf32>
    %stack3A_114 = vector.shape_cast %squeeze3A_30 : vector<512xf32> to vector<512x1xf32>
    %stack3A_115 = vector.shape_cast %squeeze3A_50 : vector<512xf32> to vector<512x1xf32>
    %stack3A_116 = vector.shape_cast %squeeze3A_70 : vector<512xf32> to vector<512x1xf32>
    %stack3A_117 = vector.shape_cast %squeeze3A_90 : vector<512xf32> to vector<512x1xf32>
    %stack3A_118 = vector.shape_cast %squeeze3A_110 : vector<512xf32> to vector<512x1xf32>
    %stack3A_119 = tpu.concatenate %stack3A, %stack3A_114, %stack3A_115, %stack3A_116, %stack3A_117, %stack3A_118 in 1 : vector<512x1xf32>, vector<512x1xf32>, vector<512x1xf32>, vector<512x1xf32>, vector<512x1xf32>, vector<512x1xf32> -> vector<512x6xf32>
    %swap3A = arith.constant 0 : index
    %swap3A_120 = arith.constant 0 : index
    %swap3A_121 = arith.constant 0 : index
    %swap3A_122 = arith.constant 0 : index
    %swap3A_123 = vector.load %arg4[%swap3A, %swap3A_120, %swap3A_121, %swap3A_122] : memref<1x1x512x6xf32, #tpu.memory_space<vmem>>, vector<1x1x512x6xf32>
    %swap3A_124 = vector.shape_cast %swap3A_123 : vector<1x1x512x6xf32> to vector<512x6xf32>
    %swap3A_125 = vector.shape_cast %stack3A_119 : vector<512x6xf32> to vector<1x1x512x6xf32>
    tpu.vector_store %arg4[%swap3A, %swap3A_120, %swap3A_121, %swap3A_122], %swap3A_125 {strides = array<i32>} : memref<1x1x512x6xf32, #tpu.memory_space<vmem>>, vector<1x1x512x6xf32>,
    %stack3A_126 = vector.shape_cast %add3A_13 : vector<512xi32> to vector<512x1xi32>
    %stack3A_127 = vector.shape_cast %add3A_33 : vector<512xi32> to vector<512x1xi32>
    %stack3A_128 = vector.shape_cast %add3A_53 : vector<512xi32> to vector<512x1xi32>
    %stack3A_129 = vector.shape_cast %add3A_73 : vector<512xi32> to vector<512x1xi32>
    %stack3A_130 = vector.shape_cast %add3A_93 : vector<512xi32> to vector<512x1xi32>
    %stack3A_131 = vector.shape_cast %add3A_113 : vector<512xi32> to vector<512x1xi32>
    %stack3A_132 = tpu.concatenate %stack3A_126, %stack3A_127, %stack3A_128, %stack3A_129, %stack3A_130, %stack3A_131 in 1 : vector<512x1xi32>, vector<512x1xi32>, vector<512x1xi32>, vector<512x1xi32>, vector<512x1xi32>, vector<512x1xi32> -> vector<512x6xi32>
    %swap3A_133 = arith.constant 0 : index
    %swap3A_134 = arith.constant 0 : index
    %swap3A_135 = arith.constant 0 : index
    %swap3A_136 = arith.constant 0 : index
    %swap3A_137 = vector.load %arg5[%swap3A_133, %swap3A_134, %swap3A_135, %swap3A_136] : memref<1x1x512x6xi32, #tpu.memory_space<vmem>>, vector<1x1x512x6xi32>
    %swap3A_138 = vector.shape_cast %swap3A_137 : vector<1x1x512x6xi32> to vector<512x6xi32>
    %swap3A_139 = vector.shape_cast %stack3A_132 : vector<512x6xi32> to vector<1x1x512x6xi32>
    tpu.vector_store %arg5[%swap3A_133, %swap3A_134, %swap3A_135, %swap3A_136], %swap3A_139 {strides = array<i32>} : memref<1x1x512x6xi32, #tpu.memory_space<vmem>>, vector<1x1x512x6xi32>,
    return
  }
  func.func @transform_0(%arg0: i32, %arg1: i32) -> (i32, i32) {
    %c0_i32 = arith.constant 0 : i32
    %c0_i32_0 = arith.constant 0 : i32
    return %arg0, %c0_i32 : i32, i32
  }
  func.func @transform_1(%arg0: i32, %arg1: i32) -> (i32, i32) {
    %c0_i32 = arith.constant 0 : i32
    %c0_i32_0 = arith.constant 0 : i32
    return %arg1, %c0_i32 : i32, i32
  }
  func.func @transform_2(%arg0: i32, %arg1: i32) -> (i32, i32, i32, i32) {
    %c0_i32 = arith.constant 0 : i32
    %c0_i32_0 = arith.constant 0 : i32
    %c0_i32_1 = arith.constant 0 : i32
    return %arg0, %arg1, %c0_i32, %c0_i32_0 : i32, i32, i32, i32
  }
  func.func @transform_3(%arg0: i32, %arg1: i32) -> (i32, i32, i32, i32) {
    %c0_i32 = arith.constant 0 : i32
    %c0_i32_0 = arith.constant 0 : i32
    %c0_i32_1 = arith.constant 0 : i32
    return %arg0, %arg1, %c0_i32, %c0_i32_0 : i32, i32, i32, i32
  }
}

module attributes {stable_mosaic.version = 14 : i64} {
  func.func @_merge_body(%arg0: i32, %arg1: memref<512x60xf32, #tpu.memory_space<vmem>>, %arg2: memref<512x60xi32, #tpu.memory_space<vmem>>, %arg3: memref<512x6xi32, #tpu.memory_space<vmem>>) attributes {dimension_semantics = [#tpu.dimension_semantics<arbitrary>], iteration_bounds = array<i64: 1>, scalar_prefetch = 0 : i64, scratch_operands = 0 : i64, tpu.core_type = #tpu.core_type<tc>, window_params = [{transform_indices = @transform_0, window_bounds = array<i64: 512, 60>}, {transform_indices = @transform_1, window_bounds = array<i64: 512, 60>}, {transform_indices = @transform_2, window_bounds = array<i64: 512, 6>}]} {
    %get3A = arith.constant 0 : index
    %get3A_0 = arith.constant 0 : index
    %get3A_1 = vector.load %arg1[%get3A, %get3A_0] : memref<512x60xf32, #tpu.memory_space<vmem>>, vector<512x60xf32>
    %get3A_2 = arith.constant 0 : index
    %get3A_3 = arith.constant 0 : index
    %get3A_4 = vector.load %arg2[%get3A_2, %get3A_3] : memref<512x60xi32, #tpu.memory_space<vmem>>, vector<512x60xi32>
    %lt3A = arith.constant 50000 : i32
    %lt3A_5 = vector.broadcast %lt3A : i32 to vector<512x60xi32>
    %lt3A_6 = arith.cmpi slt, %get3A_4, %lt3A_5 : vector<512x60xi32>
    %jit3A = arith.constant 0xFF800000 : f32
    %broadcast_in_dim3A = vector.broadcast %jit3A : f32 to vector<512x60xf32>
    %select_n3A = arith.select %lt3A_6, %get3A_1, %broadcast_in_dim3A : vector<512x60xi1>, vector<512x60xf32>
    %reduce_max3A = arith.constant dense<0xFF800000> : vector<512xf32>
    %reduce_max3A_7 = vector.multi_reduction <maximumf>, %select_n3A, %reduce_max3A [1] : vector<512x60xf32> to vector<512xf32>
    %broadcast_in_dim3A_8 = vector.shape_cast %reduce_max3A_7 : vector<512xf32> to vector<512x1xf32>
    %broadcast_in_dim3A_9 = arith.constant 2147483647 : i32
    %broadcast_in_dim3A_10 = vector.broadcast %broadcast_in_dim3A_9 : i32 to vector<512x60xi32>
    %eq3A = vector.broadcast %broadcast_in_dim3A_8 : vector<512x1xf32> to vector<512x60xf32>
    %eq3A_11 = arith.cmpf oeq, %select_n3A, %eq3A : vector<512x60xf32>
    %select_n3A_12 = arith.select %eq3A_11, %get3A_4, %broadcast_in_dim3A_10 : vector<512x60xi1>, vector<512x60xi32>
    %reduce_min3A = arith.constant dense<2147483647> : vector<512xi32>
    %reduce_min3A_13 = vector.multi_reduction <minsi>, %select_n3A_12, %reduce_min3A [1] : vector<512x60xi32> to vector<512xi32>
    %broadcast_in_dim3A_14 = vector.shape_cast %reduce_min3A_13 : vector<512xi32> to vector<512x1xi32>
    %eq3A_15 = vector.broadcast %broadcast_in_dim3A_14 : vector<512x1xi32> to vector<512x60xi32>
    %eq3A_16 = arith.cmpi eq, %get3A_4, %eq3A_15 : vector<512x60xi32>
    %jit3A_17 = arith.constant 0xFF800000 : f32
    %broadcast_in_dim3A_18 = vector.broadcast %jit3A_17 : f32 to vector<512x60xf32>
    %select_n3A_19 = arith.select %eq3A_16, %broadcast_in_dim3A_18, %select_n3A : vector<512x60xi1>, vector<512x60xf32>
    %reduce_max3A_20 = arith.constant dense<0xFF800000> : vector<512xf32>
    %reduce_max3A_21 = vector.multi_reduction <maximumf>, %select_n3A_19, %reduce_max3A_20 [1] : vector<512x60xf32> to vector<512xf32>
    %broadcast_in_dim3A_22 = vector.shape_cast %reduce_max3A_21 : vector<512xf32> to vector<512x1xf32>
    %broadcast_in_dim3A_23 = arith.constant 2147483647 : i32
    %broadcast_in_dim3A_24 = vector.broadcast %broadcast_in_dim3A_23 : i32 to vector<512x60xi32>
    %eq3A_25 = vector.broadcast %broadcast_in_dim3A_22 : vector<512x1xf32> to vector<512x60xf32>
    %eq3A_26 = arith.cmpf oeq, %select_n3A_19, %eq3A_25 : vector<512x60xf32>
    %select_n3A_27 = arith.select %eq3A_26, %get3A_4, %broadcast_in_dim3A_24 : vector<512x60xi1>, vector<512x60xi32>
    %reduce_min3A_28 = arith.constant dense<2147483647> : vector<512xi32>
    %reduce_min3A_29 = vector.multi_reduction <minsi>, %select_n3A_27, %reduce_min3A_28 [1] : vector<512x60xi32> to vector<512xi32>
    %broadcast_in_dim3A_30 = vector.shape_cast %reduce_min3A_29 : vector<512xi32> to vector<512x1xi32>
    %eq3A_31 = vector.broadcast %broadcast_in_dim3A_30 : vector<512x1xi32> to vector<512x60xi32>
    %eq3A_32 = arith.cmpi eq, %get3A_4, %eq3A_31 : vector<512x60xi32>
    %jit3A_33 = arith.constant 0xFF800000 : f32
    %broadcast_in_dim3A_34 = vector.broadcast %jit3A_33 : f32 to vector<512x60xf32>
    %select_n3A_35 = arith.select %eq3A_32, %broadcast_in_dim3A_34, %select_n3A_19 : vector<512x60xi1>, vector<512x60xf32>
    %reduce_max3A_36 = arith.constant dense<0xFF800000> : vector<512xf32>
    %reduce_max3A_37 = vector.multi_reduction <maximumf>, %select_n3A_35, %reduce_max3A_36 [1] : vector<512x60xf32> to vector<512xf32>
    %broadcast_in_dim3A_38 = vector.shape_cast %reduce_max3A_37 : vector<512xf32> to vector<512x1xf32>
    %broadcast_in_dim3A_39 = arith.constant 2147483647 : i32
    %broadcast_in_dim3A_40 = vector.broadcast %broadcast_in_dim3A_39 : i32 to vector<512x60xi32>
    %eq3A_41 = vector.broadcast %broadcast_in_dim3A_38 : vector<512x1xf32> to vector<512x60xf32>
    %eq3A_42 = arith.cmpf oeq, %select_n3A_35, %eq3A_41 : vector<512x60xf32>
    %select_n3A_43 = arith.select %eq3A_42, %get3A_4, %broadcast_in_dim3A_40 : vector<512x60xi1>, vector<512x60xi32>
    %reduce_min3A_44 = arith.constant dense<2147483647> : vector<512xi32>
    %reduce_min3A_45 = vector.multi_reduction <minsi>, %select_n3A_43, %reduce_min3A_44 [1] : vector<512x60xi32> to vector<512xi32>
    %broadcast_in_dim3A_46 = vector.shape_cast %reduce_min3A_45 : vector<512xi32> to vector<512x1xi32>
    %eq3A_47 = vector.broadcast %broadcast_in_dim3A_46 : vector<512x1xi32> to vector<512x60xi32>
    %eq3A_48 = arith.cmpi eq, %get3A_4, %eq3A_47 : vector<512x60xi32>
    %jit3A_49 = arith.constant 0xFF800000 : f32
    %broadcast_in_dim3A_50 = vector.broadcast %jit3A_49 : f32 to vector<512x60xf32>
    %select_n3A_51 = arith.select %eq3A_48, %broadcast_in_dim3A_50, %select_n3A_35 : vector<512x60xi1>, vector<512x60xf32>
    %reduce_max3A_52 = arith.constant dense<0xFF800000> : vector<512xf32>
    %reduce_max3A_53 = vector.multi_reduction <maximumf>, %select_n3A_51, %reduce_max3A_52 [1] : vector<512x60xf32> to vector<512xf32>
    %broadcast_in_dim3A_54 = vector.shape_cast %reduce_max3A_53 : vector<512xf32> to vector<512x1xf32>
    %broadcast_in_dim3A_55 = arith.constant 2147483647 : i32
    %broadcast_in_dim3A_56 = vector.broadcast %broadcast_in_dim3A_55 : i32 to vector<512x60xi32>
    %eq3A_57 = vector.broadcast %broadcast_in_dim3A_54 : vector<512x1xf32> to vector<512x60xf32>
    %eq3A_58 = arith.cmpf oeq, %select_n3A_51, %eq3A_57 : vector<512x60xf32>
    %select_n3A_59 = arith.select %eq3A_58, %get3A_4, %broadcast_in_dim3A_56 : vector<512x60xi1>, vector<512x60xi32>
    %reduce_min3A_60 = arith.constant dense<2147483647> : vector<512xi32>
    %reduce_min3A_61 = vector.multi_reduction <minsi>, %select_n3A_59, %reduce_min3A_60 [1] : vector<512x60xi32> to vector<512xi32>
    %broadcast_in_dim3A_62 = vector.shape_cast %reduce_min3A_61 : vector<512xi32> to vector<512x1xi32>
    %eq3A_63 = vector.broadcast %broadcast_in_dim3A_62 : vector<512x1xi32> to vector<512x60xi32>
    %eq3A_64 = arith.cmpi eq, %get3A_4, %eq3A_63 : vector<512x60xi32>
    %jit3A_65 = arith.constant 0xFF800000 : f32
    %broadcast_in_dim3A_66 = vector.broadcast %jit3A_65 : f32 to vector<512x60xf32>
    %select_n3A_67 = arith.select %eq3A_64, %broadcast_in_dim3A_66, %select_n3A_51 : vector<512x60xi1>, vector<512x60xf32>
    %reduce_max3A_68 = arith.constant dense<0xFF800000> : vector<512xf32>
    %reduce_max3A_69 = vector.multi_reduction <maximumf>, %select_n3A_67, %reduce_max3A_68 [1] : vector<512x60xf32> to vector<512xf32>
    %broadcast_in_dim3A_70 = vector.shape_cast %reduce_max3A_69 : vector<512xf32> to vector<512x1xf32>
    %broadcast_in_dim3A_71 = arith.constant 2147483647 : i32
    %broadcast_in_dim3A_72 = vector.broadcast %broadcast_in_dim3A_71 : i32 to vector<512x60xi32>
    %eq3A_73 = vector.broadcast %broadcast_in_dim3A_70 : vector<512x1xf32> to vector<512x60xf32>
    %eq3A_74 = arith.cmpf oeq, %select_n3A_67, %eq3A_73 : vector<512x60xf32>
    %select_n3A_75 = arith.select %eq3A_74, %get3A_4, %broadcast_in_dim3A_72 : vector<512x60xi1>, vector<512x60xi32>
    %reduce_min3A_76 = arith.constant dense<2147483647> : vector<512xi32>
    %reduce_min3A_77 = vector.multi_reduction <minsi>, %select_n3A_75, %reduce_min3A_76 [1] : vector<512x60xi32> to vector<512xi32>
    %broadcast_in_dim3A_78 = vector.shape_cast %reduce_min3A_77 : vector<512xi32> to vector<512x1xi32>
    %eq3A_79 = vector.broadcast %broadcast_in_dim3A_78 : vector<512x1xi32> to vector<512x60xi32>
    %eq3A_80 = arith.cmpi eq, %get3A_4, %eq3A_79 : vector<512x60xi32>
    %jit3A_81 = arith.constant 0xFF800000 : f32
    %broadcast_in_dim3A_82 = vector.broadcast %jit3A_81 : f32 to vector<512x60xf32>
    %select_n3A_83 = arith.select %eq3A_80, %broadcast_in_dim3A_82, %select_n3A_67 : vector<512x60xi1>, vector<512x60xf32>
    %reduce_max3A_84 = arith.constant dense<0xFF800000> : vector<512xf32>
    %reduce_max3A_85 = vector.multi_reduction <maximumf>, %select_n3A_83, %reduce_max3A_84 [1] : vector<512x60xf32> to vector<512xf32>
    %broadcast_in_dim3A_86 = vector.shape_cast %reduce_max3A_85 : vector<512xf32> to vector<512x1xf32>
    %broadcast_in_dim3A_87 = arith.constant 2147483647 : i32
    %broadcast_in_dim3A_88 = vector.broadcast %broadcast_in_dim3A_87 : i32 to vector<512x60xi32>
    %eq3A_89 = vector.broadcast %broadcast_in_dim3A_86 : vector<512x1xf32> to vector<512x60xf32>
    %eq3A_90 = arith.cmpf oeq, %select_n3A_83, %eq3A_89 : vector<512x60xf32>
    %select_n3A_91 = arith.select %eq3A_90, %get3A_4, %broadcast_in_dim3A_88 : vector<512x60xi1>, vector<512x60xi32>
    %reduce_min3A_92 = arith.constant dense<2147483647> : vector<512xi32>
    %reduce_min3A_93 = vector.multi_reduction <minsi>, %select_n3A_91, %reduce_min3A_92 [1] : vector<512x60xi32> to vector<512xi32>
    %broadcast_in_dim3A_94 = vector.shape_cast %reduce_min3A_93 : vector<512xi32> to vector<512x1xi32>
    %concatenate3A = tpu.concatenate %broadcast_in_dim3A_14, %broadcast_in_dim3A_30, %broadcast_in_dim3A_46, %broadcast_in_dim3A_62, %broadcast_in_dim3A_78, %broadcast_in_dim3A_94 in 1 : vector<512x1xi32>, vector<512x1xi32>, vector<512x1xi32>, vector<512x1xi32>, vector<512x1xi32>, vector<512x1xi32> -> vector<512x6xi32>
    %swap3A = arith.constant 0 : index
    %swap3A_95 = arith.constant 0 : index
    %swap3A_96 = vector.load %arg3[%swap3A, %swap3A_95] : memref<512x6xi32, #tpu.memory_space<vmem>>, vector<512x6xi32>
    tpu.vector_store %arg3[%swap3A, %swap3A_95], %concatenate3A {strides = array<i32>} : memref<512x6xi32, #tpu.memory_space<vmem>>, vector<512x6xi32>,
    return
  }
  func.func @transform_0(%arg0: i32) -> (i32, i32) {
    %c0_i32 = arith.constant 0 : i32
    %c0_i32_0 = arith.constant 0 : i32
    return %arg0, %c0_i32 : i32, i32
  }
  func.func @transform_1(%arg0: i32) -> (i32, i32) {
    %c0_i32 = arith.constant 0 : i32
    %c0_i32_0 = arith.constant 0 : i32
    return %arg0, %c0_i32 : i32, i32
  }
  func.func @transform_2(%arg0: i32) -> (i32, i32) {
    %c0_i32 = arith.constant 0 : i32
    %c0_i32_0 = arith.constant 0 : i32
    return %arg0, %c0_i32 : i32, i32
  }
}

module attributes {stable_mosaic.version = 14 : i64} {
  func.func @_hop_body(%arg0: i32, %arg1: i32, %arg2: memref<512x128xf32, #tpu.memory_space<vmem>>, %arg3: memref<5120x128xf32, #tpu.memory_space<vmem>>, %arg4: memref<1x1x512x6xf32, #tpu.memory_space<vmem>>, %arg5: memref<1x1x512x6xi32, #tpu.memory_space<vmem>>) attributes {dimension_semantics = [#tpu.dimension_semantics<arbitrary>, #tpu.dimension_semantics<arbitrary>], iteration_bounds = array<i64: 5, 10>, scalar_prefetch = 0 : i64, scratch_operands = 0 : i64, tpu.core_type = #tpu.core_type<tc>, window_params = [{transform_indices = @transform_0, window_bounds = array<i64: 512, 128>}, {transform_indices = @transform_1, window_bounds = array<i64: 5120, 128>}, {transform_indices = @transform_2, window_bounds = array<i64: 1, 1, 512, 6>}, {transform_indices = @transform_3, window_bounds = array<i64: 1, 1, 512, 6>}]} {
    %get3A = arith.constant 0 : index
    %get3A_0 = arith.constant 0 : index
    %get3A_1 = vector.load %arg2[%get3A, %get3A_0] : memref<512x128xf32, #tpu.memory_space<vmem>>, vector<512x128xf32>
    %get3A_2 = arith.constant 0 : index
    %get3A_3 = arith.constant 0 : index
    %get3A_4 = vector.load %arg3[%get3A_2, %get3A_3] : memref<5120x128xf32, #tpu.memory_space<vmem>>, vector<5120x128xf32>
    %dot_general3A = arith.constant dense<0.000000e+00> : vector<512x5120xf32>
    %dot_general3A_5 = tpu.matmul %get3A_1, %get3A_4, %dot_general3A {dimension_numbers = #tpu.dot_dimension_numbers<[1], [1], [0], [0], [0, 0, 1, 0], [], []>, precision = #tpu.contract_precision<fp32>, transpose_lhs_hint = false} : vector<512x128xf32>, vector<5120x128xf32>, vector<512x5120xf32> -> vector<512x5120xf32>
    %mul3A = arith.constant 5120 : i32
    %mul3A_6 = arith.muli %arg1, %mul3A : i32
    %iota3A = tpu.iota {dimensions = array<i32: 1>} : vector<512x5120xi32>
    %reduce_max3A = arith.constant dense<0xFF800000> : vector<512xf32>
    %reduce_max3A_7 = vector.multi_reduction <maximumf>, %dot_general3A_5, %reduce_max3A [1] : vector<512x5120xf32> to vector<512xf32>
    %broadcast_in_dim3A = vector.shape_cast %reduce_max3A_7 : vector<512xf32> to vector<512x1xf32>
    %eq3A = vector.broadcast %broadcast_in_dim3A : vector<512x1xf32> to vector<512x5120xf32>
    %eq3A_8 = arith.cmpf oeq, %dot_general3A_5, %eq3A : vector<512x5120xf32>
    %jit3A = arith.constant 2147483647 : i32
    %broadcast_in_dim3A_9 = vector.broadcast %jit3A : i32 to vector<512x5120xi32>
    %select_n3A = arith.select %eq3A_8, %iota3A, %broadcast_in_dim3A_9 : vector<512x5120xi1>, vector<512x5120xi32>
    %reduce_min3A = arith.constant dense<2147483647> : vector<512xi32>
    %reduce_min3A_10 = vector.multi_reduction <minsi>, %select_n3A, %reduce_min3A [1] : vector<512x5120xi32> to vector<512xi32>
    %broadcast_in_dim3A_11 = vector.shape_cast %reduce_min3A_10 : vector<512xi32> to vector<512x1xi32>
    %squeeze3A = vector.shape_cast %broadcast_in_dim3A : vector<512x1xf32> to vector<512xf32>
    %squeeze3A_12 = vector.shape_cast %broadcast_in_dim3A_11 : vector<512x1xi32> to vector<512xi32>
    %add3A = vector.broadcast %mul3A_6 : i32 to vector<512xi32>
    %add3A_13 = arith.addi %add3A, %squeeze3A_12 : vector<512xi32>
    %eq3A_14 = vector.broadcast %broadcast_in_dim3A_11 : vector<512x1xi32> to vector<512x5120xi32>
    %eq3A_15 = arith.cmpi eq, %iota3A, %eq3A_14 : vector<512x5120xi32>
    %jit3A_16 = arith.constant 0xFF800000 : f32
    %broadcast_in_dim3A_17 = vector.broadcast %jit3A_16 : f32 to vector<512x5120xf32>
    %select_n3A_18 = arith.select %eq3A_15, %broadcast_in_dim3A_17, %dot_general3A_5 : vector<512x5120xi1>, vector<512x5120xf32>
    %reduce_max3A_19 = arith.constant dense<0xFF800000> : vector<512xf32>
    %reduce_max3A_20 = vector.multi_reduction <maximumf>, %select_n3A_18, %reduce_max3A_19 [1] : vector<512x5120xf32> to vector<512xf32>
    %broadcast_in_dim3A_21 = vector.shape_cast %reduce_max3A_20 : vector<512xf32> to vector<512x1xf32>
    %eq3A_22 = vector.broadcast %broadcast_in_dim3A_21 : vector<512x1xf32> to vector<512x5120xf32>
    %eq3A_23 = arith.cmpf oeq, %select_n3A_18, %eq3A_22 : vector<512x5120xf32>
    %jit3A_24 = arith.constant 2147483647 : i32
    %broadcast_in_dim3A_25 = vector.broadcast %jit3A_24 : i32 to vector<512x5120xi32>
    %select_n3A_26 = arith.select %eq3A_23, %iota3A, %broadcast_in_dim3A_25 : vector<512x5120xi1>, vector<512x5120xi32>
    %reduce_min3A_27 = arith.constant dense<2147483647> : vector<512xi32>
    %reduce_min3A_28 = vector.multi_reduction <minsi>, %select_n3A_26, %reduce_min3A_27 [1] : vector<512x5120xi32> to vector<512xi32>
    %broadcast_in_dim3A_29 = vector.shape_cast %reduce_min3A_28 : vector<512xi32> to vector<512x1xi32>
    %squeeze3A_30 = vector.shape_cast %broadcast_in_dim3A_21 : vector<512x1xf32> to vector<512xf32>
    %squeeze3A_31 = vector.shape_cast %broadcast_in_dim3A_29 : vector<512x1xi32> to vector<512xi32>
    %add3A_32 = vector.broadcast %mul3A_6 : i32 to vector<512xi32>
    %add3A_33 = arith.addi %add3A_32, %squeeze3A_31 : vector<512xi32>
    %eq3A_34 = vector.broadcast %broadcast_in_dim3A_29 : vector<512x1xi32> to vector<512x5120xi32>
    %eq3A_35 = arith.cmpi eq, %iota3A, %eq3A_34 : vector<512x5120xi32>
    %jit3A_36 = arith.constant 0xFF800000 : f32
    %broadcast_in_dim3A_37 = vector.broadcast %jit3A_36 : f32 to vector<512x5120xf32>
    %select_n3A_38 = arith.select %eq3A_35, %broadcast_in_dim3A_37, %select_n3A_18 : vector<512x5120xi1>, vector<512x5120xf32>
    %reduce_max3A_39 = arith.constant dense<0xFF800000> : vector<512xf32>
    %reduce_max3A_40 = vector.multi_reduction <maximumf>, %select_n3A_38, %reduce_max3A_39 [1] : vector<512x5120xf32> to vector<512xf32>
    %broadcast_in_dim3A_41 = vector.shape_cast %reduce_max3A_40 : vector<512xf32> to vector<512x1xf32>
    %eq3A_42 = vector.broadcast %broadcast_in_dim3A_41 : vector<512x1xf32> to vector<512x5120xf32>
    %eq3A_43 = arith.cmpf oeq, %select_n3A_38, %eq3A_42 : vector<512x5120xf32>
    %jit3A_44 = arith.constant 2147483647 : i32
    %broadcast_in_dim3A_45 = vector.broadcast %jit3A_44 : i32 to vector<512x5120xi32>
    %select_n3A_46 = arith.select %eq3A_43, %iota3A, %broadcast_in_dim3A_45 : vector<512x5120xi1>, vector<512x5120xi32>
    %reduce_min3A_47 = arith.constant dense<2147483647> : vector<512xi32>
    %reduce_min3A_48 = vector.multi_reduction <minsi>, %select_n3A_46, %reduce_min3A_47 [1] : vector<512x5120xi32> to vector<512xi32>
    %broadcast_in_dim3A_49 = vector.shape_cast %reduce_min3A_48 : vector<512xi32> to vector<512x1xi32>
    %squeeze3A_50 = vector.shape_cast %broadcast_in_dim3A_41 : vector<512x1xf32> to vector<512xf32>
    %squeeze3A_51 = vector.shape_cast %broadcast_in_dim3A_49 : vector<512x1xi32> to vector<512xi32>
    %add3A_52 = vector.broadcast %mul3A_6 : i32 to vector<512xi32>
    %add3A_53 = arith.addi %add3A_52, %squeeze3A_51 : vector<512xi32>
    %eq3A_54 = vector.broadcast %broadcast_in_dim3A_49 : vector<512x1xi32> to vector<512x5120xi32>
    %eq3A_55 = arith.cmpi eq, %iota3A, %eq3A_54 : vector<512x5120xi32>
    %jit3A_56 = arith.constant 0xFF800000 : f32
    %broadcast_in_dim3A_57 = vector.broadcast %jit3A_56 : f32 to vector<512x5120xf32>
    %select_n3A_58 = arith.select %eq3A_55, %broadcast_in_dim3A_57, %select_n3A_38 : vector<512x5120xi1>, vector<512x5120xf32>
    %reduce_max3A_59 = arith.constant dense<0xFF800000> : vector<512xf32>
    %reduce_max3A_60 = vector.multi_reduction <maximumf>, %select_n3A_58, %reduce_max3A_59 [1] : vector<512x5120xf32> to vector<512xf32>
    %broadcast_in_dim3A_61 = vector.shape_cast %reduce_max3A_60 : vector<512xf32> to vector<512x1xf32>
    %eq3A_62 = vector.broadcast %broadcast_in_dim3A_61 : vector<512x1xf32> to vector<512x5120xf32>
    %eq3A_63 = arith.cmpf oeq, %select_n3A_58, %eq3A_62 : vector<512x5120xf32>
    %jit3A_64 = arith.constant 2147483647 : i32
    %broadcast_in_dim3A_65 = vector.broadcast %jit3A_64 : i32 to vector<512x5120xi32>
    %select_n3A_66 = arith.select %eq3A_63, %iota3A, %broadcast_in_dim3A_65 : vector<512x5120xi1>, vector<512x5120xi32>
    %reduce_min3A_67 = arith.constant dense<2147483647> : vector<512xi32>
    %reduce_min3A_68 = vector.multi_reduction <minsi>, %select_n3A_66, %reduce_min3A_67 [1] : vector<512x5120xi32> to vector<512xi32>
    %broadcast_in_dim3A_69 = vector.shape_cast %reduce_min3A_68 : vector<512xi32> to vector<512x1xi32>
    %squeeze3A_70 = vector.shape_cast %broadcast_in_dim3A_61 : vector<512x1xf32> to vector<512xf32>
    %squeeze3A_71 = vector.shape_cast %broadcast_in_dim3A_69 : vector<512x1xi32> to vector<512xi32>
    %add3A_72 = vector.broadcast %mul3A_6 : i32 to vector<512xi32>
    %add3A_73 = arith.addi %add3A_72, %squeeze3A_71 : vector<512xi32>
    %eq3A_74 = vector.broadcast %broadcast_in_dim3A_69 : vector<512x1xi32> to vector<512x5120xi32>
    %eq3A_75 = arith.cmpi eq, %iota3A, %eq3A_74 : vector<512x5120xi32>
    %jit3A_76 = arith.constant 0xFF800000 : f32
    %broadcast_in_dim3A_77 = vector.broadcast %jit3A_76 : f32 to vector<512x5120xf32>
    %select_n3A_78 = arith.select %eq3A_75, %broadcast_in_dim3A_77, %select_n3A_58 : vector<512x5120xi1>, vector<512x5120xf32>
    %reduce_max3A_79 = arith.constant dense<0xFF800000> : vector<512xf32>
    %reduce_max3A_80 = vector.multi_reduction <maximumf>, %select_n3A_78, %reduce_max3A_79 [1] : vector<512x5120xf32> to vector<512xf32>
    %broadcast_in_dim3A_81 = vector.shape_cast %reduce_max3A_80 : vector<512xf32> to vector<512x1xf32>
    %eq3A_82 = vector.broadcast %broadcast_in_dim3A_81 : vector<512x1xf32> to vector<512x5120xf32>
    %eq3A_83 = arith.cmpf oeq, %select_n3A_78, %eq3A_82 : vector<512x5120xf32>
    %jit3A_84 = arith.constant 2147483647 : i32
    %broadcast_in_dim3A_85 = vector.broadcast %jit3A_84 : i32 to vector<512x5120xi32>
    %select_n3A_86 = arith.select %eq3A_83, %iota3A, %broadcast_in_dim3A_85 : vector<512x5120xi1>, vector<512x5120xi32>
    %reduce_min3A_87 = arith.constant dense<2147483647> : vector<512xi32>
    %reduce_min3A_88 = vector.multi_reduction <minsi>, %select_n3A_86, %reduce_min3A_87 [1] : vector<512x5120xi32> to vector<512xi32>
    %broadcast_in_dim3A_89 = vector.shape_cast %reduce_min3A_88 : vector<512xi32> to vector<512x1xi32>
    %squeeze3A_90 = vector.shape_cast %broadcast_in_dim3A_81 : vector<512x1xf32> to vector<512xf32>
    %squeeze3A_91 = vector.shape_cast %broadcast_in_dim3A_89 : vector<512x1xi32> to vector<512xi32>
    %add3A_92 = vector.broadcast %mul3A_6 : i32 to vector<512xi32>
    %add3A_93 = arith.addi %add3A_92, %squeeze3A_91 : vector<512xi32>
    %eq3A_94 = vector.broadcast %broadcast_in_dim3A_89 : vector<512x1xi32> to vector<512x5120xi32>
    %eq3A_95 = arith.cmpi eq, %iota3A, %eq3A_94 : vector<512x5120xi32>
    %jit3A_96 = arith.constant 0xFF800000 : f32
    %broadcast_in_dim3A_97 = vector.broadcast %jit3A_96 : f32 to vector<512x5120xf32>
    %select_n3A_98 = arith.select %eq3A_95, %broadcast_in_dim3A_97, %select_n3A_78 : vector<512x5120xi1>, vector<512x5120xf32>
    %reduce_max3A_99 = arith.constant dense<0xFF800000> : vector<512xf32>
    %reduce_max3A_100 = vector.multi_reduction <maximumf>, %select_n3A_98, %reduce_max3A_99 [1] : vector<512x5120xf32> to vector<512xf32>
    %broadcast_in_dim3A_101 = vector.shape_cast %reduce_max3A_100 : vector<512xf32> to vector<512x1xf32>
    %eq3A_102 = vector.broadcast %broadcast_in_dim3A_101 : vector<512x1xf32> to vector<512x5120xf32>
    %eq3A_103 = arith.cmpf oeq, %select_n3A_98, %eq3A_102 : vector<512x5120xf32>
    %jit3A_104 = arith.constant 2147483647 : i32
    %broadcast_in_dim3A_105 = vector.broadcast %jit3A_104 : i32 to vector<512x5120xi32>
    %select_n3A_106 = arith.select %eq3A_103, %iota3A, %broadcast_in_dim3A_105 : vector<512x5120xi1>, vector<512x5120xi32>
    %reduce_min3A_107 = arith.constant dense<2147483647> : vector<512xi32>
    %reduce_min3A_108 = vector.multi_reduction <minsi>, %select_n3A_106, %reduce_min3A_107 [1] : vector<512x5120xi32> to vector<512xi32>
    %broadcast_in_dim3A_109 = vector.shape_cast %reduce_min3A_108 : vector<512xi32> to vector<512x1xi32>
    %squeeze3A_110 = vector.shape_cast %broadcast_in_dim3A_101 : vector<512x1xf32> to vector<512xf32>
    %squeeze3A_111 = vector.shape_cast %broadcast_in_dim3A_109 : vector<512x1xi32> to vector<512xi32>
    %add3A_112 = vector.broadcast %mul3A_6 : i32 to vector<512xi32>
    %add3A_113 = arith.addi %add3A_112, %squeeze3A_111 : vector<512xi32>
    %stack3A = vector.shape_cast %squeeze3A : vector<512xf32> to vector<512x1xf32>
    %stack3A_114 = vector.shape_cast %squeeze3A_30 : vector<512xf32> to vector<512x1xf32>
    %stack3A_115 = vector.shape_cast %squeeze3A_50 : vector<512xf32> to vector<512x1xf32>
    %stack3A_116 = vector.shape_cast %squeeze3A_70 : vector<512xf32> to vector<512x1xf32>
    %stack3A_117 = vector.shape_cast %squeeze3A_90 : vector<512xf32> to vector<512x1xf32>
    %stack3A_118 = vector.shape_cast %squeeze3A_110 : vector<512xf32> to vector<512x1xf32>
    %stack3A_119 = tpu.concatenate %stack3A, %stack3A_114, %stack3A_115, %stack3A_116, %stack3A_117, %stack3A_118 in 1 : vector<512x1xf32>, vector<512x1xf32>, vector<512x1xf32>, vector<512x1xf32>, vector<512x1xf32>, vector<512x1xf32> -> vector<512x6xf32>
    %swap3A = arith.constant 0 : index
    %swap3A_120 = arith.constant 0 : index
    %swap3A_121 = arith.constant 0 : index
    %swap3A_122 = arith.constant 0 : index
    %swap3A_123 = vector.load %arg4[%swap3A, %swap3A_120, %swap3A_121, %swap3A_122] : memref<1x1x512x6xf32, #tpu.memory_space<vmem>>, vector<1x1x512x6xf32>
    %swap3A_124 = vector.shape_cast %swap3A_123 : vector<1x1x512x6xf32> to vector<512x6xf32>
    %swap3A_125 = vector.shape_cast %stack3A_119 : vector<512x6xf32> to vector<1x1x512x6xf32>
    tpu.vector_store %arg4[%swap3A, %swap3A_120, %swap3A_121, %swap3A_122], %swap3A_125 {strides = array<i32>} : memref<1x1x512x6xf32, #tpu.memory_space<vmem>>, vector<1x1x512x6xf32>,
    %stack3A_126 = vector.shape_cast %add3A_13 : vector<512xi32> to vector<512x1xi32>
    %stack3A_127 = vector.shape_cast %add3A_33 : vector<512xi32> to vector<512x1xi32>
    %stack3A_128 = vector.shape_cast %add3A_53 : vector<512xi32> to vector<512x1xi32>
    %stack3A_129 = vector.shape_cast %add3A_73 : vector<512xi32> to vector<512x1xi32>
    %stack3A_130 = vector.shape_cast %add3A_93 : vector<512xi32> to vector<512x1xi32>
    %stack3A_131 = vector.shape_cast %add3A_113 : vector<512xi32> to vector<512x1xi32>
    %stack3A_132 = tpu.concatenate %stack3A_126, %stack3A_127, %stack3A_128, %stack3A_129, %stack3A_130, %stack3A_131 in 1 : vector<512x1xi32>, vector<512x1xi32>, vector<512x1xi32>, vector<512x1xi32>, vector<512x1xi32>, vector<512x1xi32> -> vector<512x6xi32>
    %swap3A_133 = arith.constant 0 : index
    %swap3A_134 = arith.constant 0 : index
    %swap3A_135 = arith.constant 0 : index
    %swap3A_136 = arith.constant 0 : index
    %swap3A_137 = vector.load %arg5[%swap3A_133, %swap3A_134, %swap3A_135, %swap3A_136] : memref<1x1x512x6xi32, #tpu.memory_space<vmem>>, vector<1x1x512x6xi32>
    %swap3A_138 = vector.shape_cast %swap3A_137 : vector<1x1x512x6xi32> to vector<512x6xi32>
    %swap3A_139 = vector.shape_cast %stack3A_132 : vector<512x6xi32> to vector<1x1x512x6xi32>
    tpu.vector_store %arg5[%swap3A_133, %swap3A_134, %swap3A_135, %swap3A_136], %swap3A_139 {strides = array<i32>} : memref<1x1x512x6xi32, #tpu.memory_space<vmem>>, vector<1x1x512x6xi32>,
    return
  }
  func.func @transform_0(%arg0: i32, %arg1: i32) -> (i32, i32) {
    %c0_i32 = arith.constant 0 : i32
    %c0_i32_0 = arith.constant 0 : i32
    return %arg0, %c0_i32 : i32, i32
  }
  func.func @transform_1(%arg0: i32, %arg1: i32) -> (i32, i32) {
    %c0_i32 = arith.constant 0 : i32
    %c0_i32_0 = arith.constant 0 : i32
    return %arg1, %c0_i32 : i32, i32
  }
  func.func @transform_2(%arg0: i32, %arg1: i32) -> (i32, i32, i32, i32) {
    %c0_i32 = arith.constant 0 : i32
    %c0_i32_0 = arith.constant 0 : i32
    %c0_i32_1 = arith.constant 0 : i32
    return %arg0, %arg1, %c0_i32, %c0_i32_0 : i32, i32, i32, i32
  }
  func.func @transform_3(%arg0: i32, %arg1: i32) -> (i32, i32, i32, i32) {
    %c0_i32 = arith.constant 0 : i32
    %c0_i32_0 = arith.constant 0 : i32
    %c0_i32_1 = arith.constant 0 : i32
    return %arg0, %arg1, %c0_i32, %c0_i32_0 : i32, i32, i32, i32
  }
}

module attributes {stable_mosaic.version = 14 : i64} {
  func.func @_merge_body(%arg0: i32, %arg1: memref<512x60xf32, #tpu.memory_space<vmem>>, %arg2: memref<512x60xi32, #tpu.memory_space<vmem>>, %arg3: memref<512x6xi32, #tpu.memory_space<vmem>>) attributes {dimension_semantics = [#tpu.dimension_semantics<arbitrary>], iteration_bounds = array<i64: 5>, scalar_prefetch = 0 : i64, scratch_operands = 0 : i64, tpu.core_type = #tpu.core_type<tc>, window_params = [{transform_indices = @transform_0, window_bounds = array<i64: 512, 60>}, {transform_indices = @transform_1, window_bounds = array<i64: 512, 60>}, {transform_indices = @transform_2, window_bounds = array<i64: 512, 6>}]} {
    %get3A = arith.constant 0 : index
    %get3A_0 = arith.constant 0 : index
    %get3A_1 = vector.load %arg1[%get3A, %get3A_0] : memref<512x60xf32, #tpu.memory_space<vmem>>, vector<512x60xf32>
    %get3A_2 = arith.constant 0 : index
    %get3A_3 = arith.constant 0 : index
    %get3A_4 = vector.load %arg2[%get3A_2, %get3A_3] : memref<512x60xi32, #tpu.memory_space<vmem>>, vector<512x60xi32>
    %lt3A = arith.constant 50000 : i32
    %lt3A_5 = vector.broadcast %lt3A : i32 to vector<512x60xi32>
    %lt3A_6 = arith.cmpi slt, %get3A_4, %lt3A_5 : vector<512x60xi32>
    %jit3A = arith.constant 0xFF800000 : f32
    %broadcast_in_dim3A = vector.broadcast %jit3A : f32 to vector<512x60xf32>
    %select_n3A = arith.select %lt3A_6, %get3A_1, %broadcast_in_dim3A : vector<512x60xi1>, vector<512x60xf32>
    %reduce_max3A = arith.constant dense<0xFF800000> : vector<512xf32>
    %reduce_max3A_7 = vector.multi_reduction <maximumf>, %select_n3A, %reduce_max3A [1] : vector<512x60xf32> to vector<512xf32>
    %broadcast_in_dim3A_8 = vector.shape_cast %reduce_max3A_7 : vector<512xf32> to vector<512x1xf32>
    %broadcast_in_dim3A_9 = arith.constant 2147483647 : i32
    %broadcast_in_dim3A_10 = vector.broadcast %broadcast_in_dim3A_9 : i32 to vector<512x60xi32>
    %eq3A = vector.broadcast %broadcast_in_dim3A_8 : vector<512x1xf32> to vector<512x60xf32>
    %eq3A_11 = arith.cmpf oeq, %select_n3A, %eq3A : vector<512x60xf32>
    %select_n3A_12 = arith.select %eq3A_11, %get3A_4, %broadcast_in_dim3A_10 : vector<512x60xi1>, vector<512x60xi32>
    %reduce_min3A = arith.constant dense<2147483647> : vector<512xi32>
    %reduce_min3A_13 = vector.multi_reduction <minsi>, %select_n3A_12, %reduce_min3A [1] : vector<512x60xi32> to vector<512xi32>
    %broadcast_in_dim3A_14 = vector.shape_cast %reduce_min3A_13 : vector<512xi32> to vector<512x1xi32>
    %eq3A_15 = vector.broadcast %broadcast_in_dim3A_14 : vector<512x1xi32> to vector<512x60xi32>
    %eq3A_16 = arith.cmpi eq, %get3A_4, %eq3A_15 : vector<512x60xi32>
    %jit3A_17 = arith.constant 0xFF800000 : f32
    %broadcast_in_dim3A_18 = vector.broadcast %jit3A_17 : f32 to vector<512x60xf32>
    %select_n3A_19 = arith.select %eq3A_16, %broadcast_in_dim3A_18, %select_n3A : vector<512x60xi1>, vector<512x60xf32>
    %reduce_max3A_20 = arith.constant dense<0xFF800000> : vector<512xf32>
    %reduce_max3A_21 = vector.multi_reduction <maximumf>, %select_n3A_19, %reduce_max3A_20 [1] : vector<512x60xf32> to vector<512xf32>
    %broadcast_in_dim3A_22 = vector.shape_cast %reduce_max3A_21 : vector<512xf32> to vector<512x1xf32>
    %broadcast_in_dim3A_23 = arith.constant 2147483647 : i32
    %broadcast_in_dim3A_24 = vector.broadcast %broadcast_in_dim3A_23 : i32 to vector<512x60xi32>
    %eq3A_25 = vector.broadcast %broadcast_in_dim3A_22 : vector<512x1xf32> to vector<512x60xf32>
    %eq3A_26 = arith.cmpf oeq, %select_n3A_19, %eq3A_25 : vector<512x60xf32>
    %select_n3A_27 = arith.select %eq3A_26, %get3A_4, %broadcast_in_dim3A_24 : vector<512x60xi1>, vector<512x60xi32>
    %reduce_min3A_28 = arith.constant dense<2147483647> : vector<512xi32>
    %reduce_min3A_29 = vector.multi_reduction <minsi>, %select_n3A_27, %reduce_min3A_28 [1] : vector<512x60xi32> to vector<512xi32>
    %broadcast_in_dim3A_30 = vector.shape_cast %reduce_min3A_29 : vector<512xi32> to vector<512x1xi32>
    %eq3A_31 = vector.broadcast %broadcast_in_dim3A_30 : vector<512x1xi32> to vector<512x60xi32>
    %eq3A_32 = arith.cmpi eq, %get3A_4, %eq3A_31 : vector<512x60xi32>
    %jit3A_33 = arith.constant 0xFF800000 : f32
    %broadcast_in_dim3A_34 = vector.broadcast %jit3A_33 : f32 to vector<512x60xf32>
    %select_n3A_35 = arith.select %eq3A_32, %broadcast_in_dim3A_34, %select_n3A_19 : vector<512x60xi1>, vector<512x60xf32>
    %reduce_max3A_36 = arith.constant dense<0xFF800000> : vector<512xf32>
    %reduce_max3A_37 = vector.multi_reduction <maximumf>, %select_n3A_35, %reduce_max3A_36 [1] : vector<512x60xf32> to vector<512xf32>
    %broadcast_in_dim3A_38 = vector.shape_cast %reduce_max3A_37 : vector<512xf32> to vector<512x1xf32>
    %broadcast_in_dim3A_39 = arith.constant 2147483647 : i32
    %broadcast_in_dim3A_40 = vector.broadcast %broadcast_in_dim3A_39 : i32 to vector<512x60xi32>
    %eq3A_41 = vector.broadcast %broadcast_in_dim3A_38 : vector<512x1xf32> to vector<512x60xf32>
    %eq3A_42 = arith.cmpf oeq, %select_n3A_35, %eq3A_41 : vector<512x60xf32>
    %select_n3A_43 = arith.select %eq3A_42, %get3A_4, %broadcast_in_dim3A_40 : vector<512x60xi1>, vector<512x60xi32>
    %reduce_min3A_44 = arith.constant dense<2147483647> : vector<512xi32>
    %reduce_min3A_45 = vector.multi_reduction <minsi>, %select_n3A_43, %reduce_min3A_44 [1] : vector<512x60xi32> to vector<512xi32>
    %broadcast_in_dim3A_46 = vector.shape_cast %reduce_min3A_45 : vector<512xi32> to vector<512x1xi32>
    %eq3A_47 = vector.broadcast %broadcast_in_dim3A_46 : vector<512x1xi32> to vector<512x60xi32>
    %eq3A_48 = arith.cmpi eq, %get3A_4, %eq3A_47 : vector<512x60xi32>
    %jit3A_49 = arith.constant 0xFF800000 : f32
    %broadcast_in_dim3A_50 = vector.broadcast %jit3A_49 : f32 to vector<512x60xf32>
    %select_n3A_51 = arith.select %eq3A_48, %broadcast_in_dim3A_50, %select_n3A_35 : vector<512x60xi1>, vector<512x60xf32>
    %reduce_max3A_52 = arith.constant dense<0xFF800000> : vector<512xf32>
    %reduce_max3A_53 = vector.multi_reduction <maximumf>, %select_n3A_51, %reduce_max3A_52 [1] : vector<512x60xf32> to vector<512xf32>
    %broadcast_in_dim3A_54 = vector.shape_cast %reduce_max3A_53 : vector<512xf32> to vector<512x1xf32>
    %broadcast_in_dim3A_55 = arith.constant 2147483647 : i32
    %broadcast_in_dim3A_56 = vector.broadcast %broadcast_in_dim3A_55 : i32 to vector<512x60xi32>
    %eq3A_57 = vector.broadcast %broadcast_in_dim3A_54 : vector<512x1xf32> to vector<512x60xf32>
    %eq3A_58 = arith.cmpf oeq, %select_n3A_51, %eq3A_57 : vector<512x60xf32>
    %select_n3A_59 = arith.select %eq3A_58, %get3A_4, %broadcast_in_dim3A_56 : vector<512x60xi1>, vector<512x60xi32>
    %reduce_min3A_60 = arith.constant dense<2147483647> : vector<512xi32>
    %reduce_min3A_61 = vector.multi_reduction <minsi>, %select_n3A_59, %reduce_min3A_60 [1] : vector<512x60xi32> to vector<512xi32>
    %broadcast_in_dim3A_62 = vector.shape_cast %reduce_min3A_61 : vector<512xi32> to vector<512x1xi32>
    %eq3A_63 = vector.broadcast %broadcast_in_dim3A_62 : vector<512x1xi32> to vector<512x60xi32>
    %eq3A_64 = arith.cmpi eq, %get3A_4, %eq3A_63 : vector<512x60xi32>
    %jit3A_65 = arith.constant 0xFF800000 : f32
    %broadcast_in_dim3A_66 = vector.broadcast %jit3A_65 : f32 to vector<512x60xf32>
    %select_n3A_67 = arith.select %eq3A_64, %broadcast_in_dim3A_66, %select_n3A_51 : vector<512x60xi1>, vector<512x60xf32>
    %reduce_max3A_68 = arith.constant dense<0xFF800000> : vector<512xf32>
    %reduce_max3A_69 = vector.multi_reduction <maximumf>, %select_n3A_67, %reduce_max3A_68 [1] : vector<512x60xf32> to vector<512xf32>
    %broadcast_in_dim3A_70 = vector.shape_cast %reduce_max3A_69 : vector<512xf32> to vector<512x1xf32>
    %broadcast_in_dim3A_71 = arith.constant 2147483647 : i32
    %broadcast_in_dim3A_72 = vector.broadcast %broadcast_in_dim3A_71 : i32 to vector<512x60xi32>
    %eq3A_73 = vector.broadcast %broadcast_in_dim3A_70 : vector<512x1xf32> to vector<512x60xf32>
    %eq3A_74 = arith.cmpf oeq, %select_n3A_67, %eq3A_73 : vector<512x60xf32>
    %select_n3A_75 = arith.select %eq3A_74, %get3A_4, %broadcast_in_dim3A_72 : vector<512x60xi1>, vector<512x60xi32>
    %reduce_min3A_76 = arith.constant dense<2147483647> : vector<512xi32>
    %reduce_min3A_77 = vector.multi_reduction <minsi>, %select_n3A_75, %reduce_min3A_76 [1] : vector<512x60xi32> to vector<512xi32>
    %broadcast_in_dim3A_78 = vector.shape_cast %reduce_min3A_77 : vector<512xi32> to vector<512x1xi32>
    %eq3A_79 = vector.broadcast %broadcast_in_dim3A_78 : vector<512x1xi32> to vector<512x60xi32>
    %eq3A_80 = arith.cmpi eq, %get3A_4, %eq3A_79 : vector<512x60xi32>
    %jit3A_81 = arith.constant 0xFF800000 : f32
    %broadcast_in_dim3A_82 = vector.broadcast %jit3A_81 : f32 to vector<512x60xf32>
    %select_n3A_83 = arith.select %eq3A_80, %broadcast_in_dim3A_82, %select_n3A_67 : vector<512x60xi1>, vector<512x60xf32>
    %reduce_max3A_84 = arith.constant dense<0xFF800000> : vector<512xf32>
    %reduce_max3A_85 = vector.multi_reduction <maximumf>, %select_n3A_83, %reduce_max3A_84 [1] : vector<512x60xf32> to vector<512xf32>
    %broadcast_in_dim3A_86 = vector.shape_cast %reduce_max3A_85 : vector<512xf32> to vector<512x1xf32>
    %broadcast_in_dim3A_87 = arith.constant 2147483647 : i32
    %broadcast_in_dim3A_88 = vector.broadcast %broadcast_in_dim3A_87 : i32 to vector<512x60xi32>
    %eq3A_89 = vector.broadcast %broadcast_in_dim3A_86 : vector<512x1xf32> to vector<512x60xf32>
    %eq3A_90 = arith.cmpf oeq, %select_n3A_83, %eq3A_89 : vector<512x60xf32>
    %select_n3A_91 = arith.select %eq3A_90, %get3A_4, %broadcast_in_dim3A_88 : vector<512x60xi1>, vector<512x60xi32>
    %reduce_min3A_92 = arith.constant dense<2147483647> : vector<512xi32>
    %reduce_min3A_93 = vector.multi_reduction <minsi>, %select_n3A_91, %reduce_min3A_92 [1] : vector<512x60xi32> to vector<512xi32>
    %broadcast_in_dim3A_94 = vector.shape_cast %reduce_min3A_93 : vector<512xi32> to vector<512x1xi32>
    %concatenate3A = tpu.concatenate %broadcast_in_dim3A_14, %broadcast_in_dim3A_30, %broadcast_in_dim3A_46, %broadcast_in_dim3A_62, %broadcast_in_dim3A_78, %broadcast_in_dim3A_94 in 1 : vector<512x1xi32>, vector<512x1xi32>, vector<512x1xi32>, vector<512x1xi32>, vector<512x1xi32>, vector<512x1xi32> -> vector<512x6xi32>
    %swap3A = arith.constant 0 : index
    %swap3A_95 = arith.constant 0 : index
    %swap3A_96 = vector.load %arg3[%swap3A, %swap3A_95] : memref<512x6xi32, #tpu.memory_space<vmem>>, vector<512x6xi32>
    tpu.vector_store %arg3[%swap3A, %swap3A_95], %concatenate3A {strides = array<i32>} : memref<512x6xi32, #tpu.memory_space<vmem>>, vector<512x6xi32>,
    return
  }
  func.func @transform_0(%arg0: i32) -> (i32, i32) {
    %c0_i32 = arith.constant 0 : i32
    %c0_i32_0 = arith.constant 0 : i32
    return %arg0, %c0_i32 : i32, i32
  }
  func.func @transform_1(%arg0: i32) -> (i32, i32) {
    %c0_i32 = arith.constant 0 : i32
    %c0_i32_0 = arith.constant 0 : i32
    return %arg0, %c0_i32 : i32, i32
  }
  func.func @transform_2(%arg0: i32) -> (i32, i32) {
    %c0_i32 = arith.constant 0 : i32
    %c0_i32_0 = arith.constant 0 : i32
    return %arg0, %c0_i32 : i32, i32
  }
}

module attributes {stable_mosaic.version = 14 : i64} {
  func.func @_loss_body(%arg0: memref<512x16xf32, #tpu.memory_space<vmem>>, %arg1: memref<512x5x16xf32, #tpu.memory_space<vmem>>, %arg2: memref<512x25x16xf32, #tpu.memory_space<vmem>>, %arg3: memref<512x5x5xi32, #tpu.memory_space<vmem>>, %arg4: memref<512x1x1xi32, #tpu.memory_space<vmem>>, %arg5: memref<1x1xf32, #tpu.memory_space<vmem>>) attributes {dimension_semantics = [], scalar_prefetch = 0 : i64, scratch_operands = 0 : i64, tpu.core_type = #tpu.core_type<tc>} {
    %get3A = arith.constant 0 : index
    %get3A_0 = arith.constant 0 : index
    %get3A_1 = vector.load %arg0[%get3A, %get3A_0] : memref<512x16xf32, #tpu.memory_space<vmem>>, vector<512x16xf32>
    %get3A_2 = arith.constant 0 : index
    %get3A_3 = arith.constant 0 : index
    %get3A_4 = arith.constant 0 : index
    %get3A_5 = vector.load %arg1[%get3A_2, %get3A_3, %get3A_4] : memref<512x5x16xf32, #tpu.memory_space<vmem>>, vector<512x5x16xf32>
    %get3A_6 = arith.constant 0 : index
    %get3A_7 = arith.constant 0 : index
    %get3A_8 = arith.constant 0 : index
    %get3A_9 = vector.load %arg2[%get3A_6, %get3A_7, %get3A_8] : memref<512x25x16xf32, #tpu.memory_space<vmem>>, vector<512x25x16xf32>
    %broadcast_in_dim3A = vector.shape_cast %get3A_1 : vector<512x16xf32> to vector<512x1x16xf32>
    %log3A = math.log %get3A_5 : vector<512x5x16xf32>
    %sub3A = vector.broadcast %broadcast_in_dim3A : vector<512x1x16xf32> to vector<512x5x16xf32>
    %sub3A_10 = arith.subf %log3A, %sub3A : vector<512x5x16xf32>
    %mul3A = arith.mulf %get3A_5, %sub3A_10 : vector<512x5x16xf32>
    %reduce_sum3A = arith.constant dense<0.000000e+00> : vector<512x5xf32>
    %reduce_sum3A_11 = vector.multi_reduction <add>, %mul3A, %reduce_sum3A [2] : vector<512x5x16xf32> to vector<512x5xf32>
    %get3A_12 = arith.constant 0 : index
    %get3A_13 = arith.constant 0 : index
    %get3A_14 = arith.constant 0 : index
    %get3A_15 = vector.load %arg3[%get3A_12, %get3A_13, %get3A_14] : memref<512x5x5xi32, #tpu.memory_space<vmem>>, vector<512x5x5xi32>
    %get3A_16 = arith.constant 0 : index
    %get3A_17 = arith.constant 0 : index
    %get3A_18 = arith.constant 0 : index
    %get3A_19 = vector.load %arg4[%get3A_16, %get3A_17, %get3A_18] : memref<512x1x1xi32, #tpu.memory_space<vmem>>, vector<512x1x1xi32>
    %eq3A = vector.broadcast %get3A_19 : vector<512x1x1xi32> to vector<512x5x5xi32>
    %eq3A_20 = arith.cmpi eq, %get3A_15, %eq3A : vector<512x5x5xi32>
    %convert_element_type3A = arith.extui %eq3A_20 : vector<512x5x5xi1> to vector<512x5x5xi32>
    %convert_element_type3A_21 = arith.sitofp %convert_element_type3A : vector<512x5x5xi32> to vector<512x5x5xf32>
    %reduce_sum3A_22 = arith.constant dense<0.000000e+00> : vector<512x5xf32>
    %reduce_sum3A_23 = vector.multi_reduction <add>, %convert_element_type3A_21, %reduce_sum3A_22 [2] : vector<512x5x5xf32> to vector<512x5xf32>
    %gt3A = arith.constant 0.000000e+00 : f32
    %gt3A_24 = vector.broadcast %gt3A : f32 to vector<512x5xf32>
    %gt3A_25 = arith.cmpf ogt, %reduce_sum3A_23, %gt3A_24 : vector<512x5xf32>
    %jit3A = arith.constant 1.000000e-01 : f32
    %broadcast_in_dim3A_26 = vector.broadcast %jit3A : f32 to vector<512x5xf32>
    %select_n3A = arith.select %gt3A_25, %reduce_sum3A_23, %broadcast_in_dim3A_26 : vector<512x5xi1>, vector<512x5xf32>
    %log3A_27 = math.log %get3A_9 : vector<512x25x16xf32>
    %sub3A_28 = vector.broadcast %broadcast_in_dim3A : vector<512x1x16xf32> to vector<512x25x16xf32>
    %sub3A_29 = arith.subf %log3A_27, %sub3A_28 : vector<512x25x16xf32>
    %mul3A_30 = arith.mulf %get3A_9, %sub3A_29 : vector<512x25x16xf32>
    %reduce_sum3A_31 = arith.constant dense<0.000000e+00> : vector<512x25xf32>
    %reduce_sum3A_32 = vector.multi_reduction <add>, %mul3A_30, %reduce_sum3A_31 [2] : vector<512x25x16xf32> to vector<512x25xf32>
    %reduce_sum3A_33 = arith.constant dense<0.000000e+00> : vector<16xf32>
    %reduce_sum3A_34 = vector.multi_reduction <add>, %get3A_1, %reduce_sum3A_33 [0] : vector<512x16xf32> to vector<16xf32>
    %broadcast_in_dim3A_35 = vector.shape_cast %reduce_sum3A_34 : vector<16xf32> to vector<1x16xf32>
    %div3A = arith.constant 5.120000e+02 : f32
    %div3A_36 = vector.broadcast %div3A : f32 to vector<1x16xf32>
    %div3A_37 = arith.divf %broadcast_in_dim3A_35, %div3A_36 : vector<1x16xf32>
    %add3A = arith.constant 9.99999974E-6 : f32
    %add3A_38 = vector.broadcast %add3A : f32 to vector<1x16xf32>
    %add3A_39 = arith.addf %div3A_37, %add3A_38 : vector<1x16xf32>
    %log3A_40 = math.log %add3A_39 : vector<1x16xf32>
    %mul3A_41 = arith.mulf %div3A_37, %log3A_40 : vector<1x16xf32>
    %reduce_sum3A_42 = arith.constant dense<0.000000e+00> : vector<1xf32>
    %reduce_sum3A_43 = vector.multi_reduction <add>, %mul3A_41, %reduce_sum3A_42 [1] : vector<1x16xf32> to vector<1xf32>
    %broadcast_in_dim3A_44 = vector.shape_cast %reduce_sum3A_43 : vector<1xf32> to vector<1x1xf32>
    %reduce_sum3A_45 = vector.shape_cast %reduce_sum3A_32 : vector<512x25xf32> to vector<1x512x25xf32>
    %reduce_sum3A_46 = arith.constant dense<0.000000e+00> : vector<1xf32>
    %reduce_sum3A_47 = vector.multi_reduction <add>, %reduce_sum3A_45, %reduce_sum3A_46 [1, 2] : vector<1x512x25xf32> to vector<1xf32>
    %reduce_sum3A_48 = vector.shape_cast %reduce_sum3A_47 : vector<1xf32> to vector<1x1x1xf32>
    %reduce_sum3A_49 = vector.extract %reduce_sum3A_48[0, 0, 0] : f32 from vector<1x1x1xf32>
    %broadcast_in_dim3A_50 = vector.broadcast %reduce_sum3A_49 : f32 to vector<1x1xf32>
    %mul3A_51 = arith.mulf %reduce_sum3A_11, %select_n3A : vector<512x5xf32>
    %reduce_sum3A_52 = vector.shape_cast %mul3A_51 : vector<512x5xf32> to vector<1x512x5xf32>
    %reduce_sum3A_53 = arith.constant dense<0.000000e+00> : vector<1xf32>
    %reduce_sum3A_54 = vector.multi_reduction <add>, %reduce_sum3A_52, %reduce_sum3A_53 [1, 2] : vector<1x512x5xf32> to vector<1xf32>
    %reduce_sum3A_55 = vector.shape_cast %reduce_sum3A_54 : vector<1xf32> to vector<1x1x1xf32>
    %reduce_sum3A_56 = vector.extract %reduce_sum3A_55[0, 0, 0] : f32 from vector<1x1x1xf32>
    %broadcast_in_dim3A_57 = vector.broadcast %reduce_sum3A_56 : f32 to vector<1x1xf32>
    %mul3A_58 = arith.constant 1.000000e-01 : f32
    %mul3A_59 = vector.broadcast %mul3A_58 : f32 to vector<1x1xf32>
    %mul3A_60 = arith.mulf %broadcast_in_dim3A_50, %mul3A_59 : vector<1x1xf32>
    %add3A_61 = arith.addf %mul3A_60, %broadcast_in_dim3A_57 : vector<1x1xf32>
    %div3A_62 = arith.constant 5.120000e+02 : f32
    %div3A_63 = vector.broadcast %div3A_62 : f32 to vector<1x1xf32>
    %div3A_64 = arith.divf %add3A_61, %div3A_63 : vector<1x1xf32>
    %add3A_65 = arith.addf %div3A_64, %broadcast_in_dim3A_44 : vector<1x1xf32>
    %swap3A = arith.constant 0 : index
    %swap3A_66 = arith.constant 0 : index
    %swap3A_67 = vector.load %arg5[%swap3A, %swap3A_66] : memref<1x1xf32, #tpu.memory_space<vmem>>, vector<1x1xf32>
    tpu.vector_store %arg5[%swap3A, %swap3A_66], %add3A_65 {strides = array<i32>} : memref<1x1xf32, #tpu.memory_space<vmem>>, vector<1x1xf32>,
    return
  }
}

</mosaic_0001>

<sc_bundles>
// kernel: kernel.12.cloned.1.call-start
scs
__scs_entry_jumppad:
0x0: {  	(pc) =	sbr.rel $0x88, $3  }
0x1: {  	(tag) =	ssettag $0x0;
	lr =	simm.s32 $0x1  }
0x2: {  	[smem:$0x3F9C] =	sst lr;
	_ =	strace $0xD0000000  }
0x3: {  	_ = 	snop  }
0x4: {  	_ = 	snop  }
0x5: {  	_ = 	snop  }
0x6: {  	_ = 	snop  }
0x7: {  	_ = 	snop  }
__scs_overlays_trampoline_lowered:
0x8: {  	[smem:$0x3FAB] =	sst s0  }
0x9: {  	[smem:$0x3FAC] =	sst s1  }
0xa: {  	[smem:$0x3FAD] =	sst s2  }
0xb: {  	[smem:$0x3FAE] =	sst s3  }
0xc: {  	[smem:$0x3FAF] =	sst s4  }
0xd: {  	[smem:$0x3FB0] =	sst s5  }
0xe: {  	[smem:$0x3FB1] =	sst s6  }
0xf: {  	[smem:$0x3FB2] =	sst s7  }
0x10: {  	[smem:$0x3FB3] =	sst s8  }
0x11: {  	[smem:$0x3FB4] =	sst s9;
	s0 =	simm.s32 @!p0 $0x0  }
0x12: {  	s1 =	sld [smem:$0x3F9A];
	s0 =	simm.s32 @p0 $0x1  }
0x13: {  	[smem:$0x3FB5] =	sst s0;
	s0 =	simm.s32 @!p1 $0x0  }
0x14: {  	s2 =	sld [smem:$0x3F99];
	s0 =	simm.s32 @p1 $0x1  }
0x15: {  	[smem:$0x3FB6] =	sst s0;
	s0 =	simm.s32 @!p2 $0x0  }
0x16: {  	s3 =	sld [smem:$0x3FDB];
	s0 =	simm.s32 @p2 $0x1  }
0x17: {  	s4 =	simm.s32 $0x1BF5;
	[smem:$0x3FB8] =	sst s0  }
0x18: {  	s0 =	sld [smem:$0x3F9B];
	_ =	swait.ge [sflag:s4], $0x0  }
0x19: {  	s7 =	sld [smem:$0x3F9C]  }
0x1a: {  	s8 =	sadd.s32 $0xFFFFE003, lr  }
0x1b: {  	s9 =	sadd.s32 $0xFFFFFEF7, lr;
	s5 =	simm.s32 $0xFFFFFFFF;
	p2 =	slt.u32 s8, $0xFFFFF086  }
0x1c: {  	p1 =	slt.u32 s9, $0xF7A;
	s5 =	simm.s32 @!p2 $0x0  }
0x1d: {  	s5 =	simm.s32 @p1 $0x1;
	p0 =	seq.s32 s7, s2  }
0x1e: {  	s7 =	smul.u32 @!p0 $0xF7A, s2;
	p2 =	seq.s32 @!p0 s5, $0x0  }
0x1f: {  	s9 =	smul.u32 $0xF7A, s1;
	s8 =	simm.s32 @!p0 $0x1BF5;
	p2 =	por !p2, p0  }
0x20: {  	[sflag:s8] =	ssyncset.s32 @!p0 $0xFFFFF086;
	s6 =	sadd.s32 @!p0 s3, s7;
	s7 =	simm.s32 @!p0 $0x108  }
0x21: {  	s3 =	sadd.s32 s3, s9;
	s6 =	sadd.s32 @!p0 $0x88, s6;
	s7 =	simm.s32 @p2 $0x1082  }
0x22: {  	[simem:s7], [sflag:s8] =	dma.local @!p0 [hbm:s6], $0xF7A  }
0x23: {  	s9 =	sor.u32 $0xD0000000, s2;
	s6 =	simm.s32 $0x108;
	_ =	swait.ge @!p0 [sflag:s8], $0x0  }
0x24: {  	s3 =	sadd.s32 $0x88, s3;
	s6 =	simm.s32 @!p1 $0x1082;
	[sflag:s4] =	ssyncset.s32 $0xFFFFF086  }
0x25: {  	[simem:s6], [sflag:s4] =	dma.local [hbm:s3], $0xF7A  }
0x26: {  	[smem:$0x3F9C] =	sst s1;
	(tag) =	ssettag s2;
	_ =	strace s9  }
0x27: {  	s1 =	sld [smem:$0x3FAC]  }
0x28: {  	s2 =	sld [smem:$0x3FAD]  }
0x29: {  	s4 =	sld [smem:$0x3FAF]  }
0x2a: {  	p0 =	seq.s32 s5, $0x0;
	s5 =	sld [smem:$0x3FB0]  }
0x2b: {  	s6 =	sld [smem:$0x3FB1]  }
0x2c: {  	s7 =	sld [smem:$0x3FB2]  }
0x2d: {  	s3 =	simm.s32 $0x108;
	s8 =	sld [smem:$0x3FB3]  }
0x2e: {  	s3 =	simm.s32 @!p0 $0x1082;
	s9 =	sld [smem:$0x3FB4]  }
0x2f: {  	lr =	sadd.s32 s0, s3;
	s0 =	sld [smem:$0x3FAB]  }
0x30: {  	s3 =	sld [smem:$0x3FAE]  }
0x31: {  	[smem:$0x3FB7] =	sst s10  }
0x32: {  	s10 =	sld [smem:$0x3FB5];
	_ =	sdelay $0x3  }
0x33: {  	p0 =	seq.s32 s10, $0x1;
	s10 =	sld [smem:$0x3FB7];
	_ =	sdelay $0x3  }
0x34: {  	[smem:$0x3FB7] =	sst s10  }
0x35: {  	s10 =	sld [smem:$0x3FB6];
	_ =	sdelay $0x3  }
0x36: {  	p1 =	seq.s32 s10, $0x1;
	s10 =	sld [smem:$0x3FB7];
	_ =	sdelay $0x3  }
0x37: {  	[smem:$0x3FB7] =	sst s10  }
0x38: {  	s10 =	sld [smem:$0x3FB8]  }
0x39: {  	_ = 	snop;
	(pc) =	sbr.ind lr, $3  }
0x3a: {  	_ = 	snop  }
0x3b: {  	_ = 	snop  }
0x3c: {  	p2 =	seq.s32 s10, $0x1;
	s10 =	sld [smem:$0x3FB7]  }
0x3d: {  	_ =	shalt  }
0x3e: {  	_ =	shalt  }
0x3f: {  	_ =	shalt  }
0x40: {  	_ =	shalt  }
0x41: {  	_ =	shalt  }
0x42: {  	_ =	shalt  }
0x43: {  	_ =	shalt  }
0x44: {  	_ =	shalt  }
0x45: {  	_ =	shalt  }
0x46: {  	_ =	shalt  }
0x47: {  	_ =	shalt  }
0x48: {  	_ =	shalt  }
0x49: {  	_ =	shalt  }
0x4a: {  	_ =	shalt  }
0x4b: {  	_ =	shalt  }
0x4c: {  	_ =	shalt  }
0x4d: {  	_ =	shalt  }
0x4e: {  	_ =	shalt  }
0x4f: {  	_ =	shalt  }
0x50: {  	_ =	shalt  }
0x51: {  	_ =	shalt  }
0x52: {  	_ =	shalt  }
0x53: {  	_ =	shalt  }
0x54: {  	_ =	shalt  }
0x55: {  	_ =	shalt  }
0x56: {  	_ =	shalt  }
0x57: {  	_ =	shalt  }
0x58: {  	_ =	shalt  }
0x59: {  	_ =	shalt  }
0x5a: {  	_ =	shalt  }
0x5b: {  	_ =	shalt  }
0x5c: {  	_ =	shalt  }
0x5d: {  	_ =	shalt  }
0x5e: {  	_ =	shalt  }
0x5f: {  	_ =	shalt  }
0x60: {  	_ =	shalt  }
0x61: {  	_ =	shalt  }
0x62: {  	_ =	shalt  }
0x63: {  	_ =	shalt  }
0x64: {  	_ =	shalt  }
0x65: {  	_ =	shalt  }
0x66: {  	_ =	shalt  }
0x67: {  	_ =	shalt  }
0x68: {  	_ =	shalt  }
0x69: {  	_ =	shalt  }
0x6a: {  	_ =	shalt  }
0x6b: {  	_ =	shalt  }
0x6c: {  	_ =	shalt  }
0x6d: {  	_ =	shalt  }
0x6e: {  	_ =	shalt  }
0x6f: {  	_ =	shalt  }
0x70: {  	_ =	shalt  }
0x71: {  	_ =	shalt  }
0x72: {  	_ =	shalt  }
0x73: {  	_ =	shalt  }
0x74: {  	_ =	shalt  }
0x75: {  	_ =	shalt  }
0x76: {  	_ =	shalt  }
0x77: {  	_ =	shalt  }
0x78: {  	_ =	shalt  }
0x79: {  	_ =	shalt  }
0x7a: {  	_ =	shalt  }
0x7b: {  	_ =	shalt  }
0x7c: {  	_ =	shalt  }
0x7d: {  	_ =	shalt  }
0x7e: {  	_ =	shalt  }
0x7f: {  	_ =	shalt  }
0x80: {  	_ =	shalt  }
0x81: {  	_ =	shalt  }
0x82: {  	_ =	shalt  }
0x83: {  	_ =	shalt  }
0x84: {  	_ =	shalt  }
0x85: {  	_ =	shalt  }
0x86: {  	_ =	shalt  }
0x87: {  	_ =	shalt  }
.Lfunc_end0:
.L_simem_size_0:
called_computation_lowered:
.L_overlay_start_0:
0x88: {  	s2 =	sld [smem:$0x3FD9]  }
0x89: {  	s3 =	sld [smem:$0x3FFE];
	_ =	sdelay $0x1  }
0x8a: {  	s1 =	srdreg.scid  }
0x8b: {  	s0 =	sand.u32 $0x1, s1  }
0x8c: {  	s16 =	sshll.u32 s0, $0xA;
	s2 =	sadd.s32 s3, s2  }
0x8d: {  	s2 =	sadd.s32 s2, s16  }
0x8e: {  	[smem:$0x3FC3] =	sst s2  }
0x8f: {  	_ = 	snop  }
0x90: {  	(tm) =	ssettm $0x1  }
0x91: {  	s17 =	sld [smem:$0x3FFB];
	_ =	sdelay $0x3  }
0x92: {  	_ =	strace s17  }
0x93: {  	s2 =	sld [smem:$0x3FFC];
	_ =	sdelay $0x3  }
0x94: {  	_ =	strace s2  }
0x95: {  	s2 =	sld [smem:$0x3FFD];
	_ =	sdelay $0x3  }
0x96: {  	_ =	strace s2  }
0x97: {  	_ =	strace $0x8FFFFFFF  }
0x98: {  	s18 =	sld [smem:$0x3FDB];
	_ =	sdelay $0x1  }
0x99: {  	s19 =	simm.s32 $_scs_section_size  }
0x9a: {  	s4 =	simm.s32 $_size__tile_overlayer_lowered;
	s5 =	simm.s32 $_tile_overlayer_lowered  }
0x9b: {  	s22 =	simm.s32 $0x1BFF;
	s21 =	sshll.u32 s5, $0x1;
	s2 =	sadd.s32 s19, s18  }
0x9c: {  	s6 =	simm.s32 $0x0;
	s20 =	sshll.u32 s4, $0x1;
	s4 =	sadd.s32 s21, s2  }
0x9d: {  	[timem:s6], [sflag:s22] =	dma.local [hbm:s4], s20  }
0x9e: {  	_ =	swait.ge [sflag:s22], s20  }
0x9f: {  	s3 =	ssub.s32 $0x0, s20;
	[sflag:s22] =	ssyncset.done $0x0  }
0xa0: {  	[sflag:s22] =	ssyncadd.s32 s3;
	_ =	sdelay $0x1  }
0xa1: {  	s23 =	simm.s32 $0x1B8B  }
0xa2: {  	_ =	swait.ge [sflag:s23], $0x1  }
0xa3: {  	[sflag:s23] =	ssyncset.done $0x0  }
0xa4: {  	s25 =	simm.s32 $0x1B8E;
	s24 =	sld [smem:$0x3FFE];
	[sflag:s23] =	ssyncadd.s32 $0xFFFFFFFF  }
0xa5: {  	s26 =	simm.s32 $execute0_lowered;
	[smem:$0x3FD2] =	sst s25  }
0xa6: {  	s4 =	sshll.u32 s26, $0x1;
	_ =	strace $0x80000046;
	[dreg:$0x1] =	wrdreg $0xFFFFFFFF  }
0xa7: {  	s28 =	simm.s32 $_size_execute0_lowered;
	s2 =	sadd.s32 s2, s4;
	[dreg:$0x0] =	wrdreg $0x0  }
0xa8: {  	s4 =	sshll.u32 s28, $0x1;
	[dreg:$0x2] =	wrdreg s2  }
0xa9: {  	[dreg:$0x3] =	wrdreg s4  }
0xaa: {  	[dreg:$0x4] =	wrdreg $0xC0  }
0xab: {  	_ =	task [dreg:s6], $0x5FFFF  }
0xac: {  	[dreg:$0x1] =	wrdreg $0xFFFFFFFF  }
0xad: {  	[dreg:$0x0] =	wrdreg $0x60  }
0xae: {  	[dreg:$0x2] =	wrdreg s24  }
0xaf: {  	[dreg:$0x3] =	wrdreg $0xA  }
0xb0: {  	_ =	task.clear_ibuf [dreg:s6], $0x4FFFF;
	_ =	strace $0x90000046  }
0xb1: {  	s29 =	simm.s32 $0xA;
	_ =	strace $0x80000048  }
0xb2: {  	_ =	swait.ge [sflag:s29], $0x1  }
0xb3: {  	[sflag:s29] =	ssyncadd.s32 $0xFFFFFFFF  }
0xb4: {  	_ =	strace $0x90000048  }
0xb5: {  	_ =	sfence  }
0xb6: {  	s30 =	sld [smem:$0x0];
	_ =	sdelay $0x2  }
0xb7: {  	s31 =	sshll.u32 s1, $0xD;
	s1 =	sshrl.u32 s1, $0x2  }
0xb8: {  	s3 =	sand.u32 $0x4000, s31;
	s1 =	sadd.s32 s1, s30  }
0xb9: {  	s0 =	sor.u32 s3, s0;
	s1 =	sshll.u32 s1, $0x11  }
0xba: {  	s0 =	sor.u32 s1, s0  }
0xbb: {  	s0 =	sadd.s32 $0x8F2B, s0  }
0xbc: {  	[sflag:s0] =	ssyncadd.remote.s32 $0x1  }
0xbd: {  	_ =	sfence.sel $0xFFFF  }
0xbe: {  	[dreg:$0x0] =	wrdreg $0xFFFFFFFF;
	(pc) =	sbr.abs _section_cstart, $3  }
0xbf: {  	[dreg:$0x1] =	wrdreg $0xFFFFFFFF  }
0xc0: {  	_ =	task.clear_ibuf [dreg:s6], $0x2FFFF;
	_ =	strace $0x9FFFFFFF  }
0xc1: {  	(tm) =	ssettm $0x7FFFFFFF  }
tec
execute0_lowered:
.L_overlay_start_1:
0x0: {  	(tag) =	ssettag $0x1  }
0x1: {  	s1 =	srdreg.scid;
	s0 =	stileid.u32  }
0x2: {  	s6 =	sand.u32 $0x1, s1;
	s30 =	sshll.u32 s0, $0x1  }
0x3: {  	s9 =	rddreg [dreg:$0x0];
	s7 =	sor.u32 s6, s30  }
0x4: {  	s2 =	simm.s32 $0x0;
	s1 =	rddreg [dreg:$0x1];
	s3 =	smul.u32 $0xA, s7  }
0x5: {  	s8 =	simm.s32 $0x1;
	[smem:$0x7FF] =	sst s2;
	s5 =	sadd.s32 $0xC7600, s9  }
0x6: {  	_ =	strace $0x80000047;
	s11 =	ssub.s32 $0x2, s6;
	s3 =	sadd.s32 s3, s9  }
0x7: {  	s6 =	simm.s32 $0x50;
	s4 =	sadd.s32 $0x18F600, s3;
	s3 =	simm.s32 $0x2  }
0x8: {  	[tilespmem:s2], [sflag:$0x2] =	stream.linear.gather [hbm4b:s4+s2], $0x50, $0x38;
	[tilespmem:$0x2880] =	vst v63  }
0x9: {  	s10 =	smul.u32 $0x500, s7;
	s12 =	sshrl.u32 s11, $0x1;
	_ =	swait.ge [sflag:s3], $0x50  }
0xa: {  	s7 =	simm.s32 $0x80;
	s31 =	ssub.s32 s11, s12;
	[sflag:s3] =	ssyncset.done $0x0  }
0xb: {  	s9 =	sadd.s32 s10, s9;
	s10 =	smax.u32 s31, $0x1;
	[sflag:s3] =	ssyncadd.s32 $0xFFFFFFB0  }
0xc: {  	[tilespmem:s7], [sflag:$0x1] =	stream.indirect.gather [hbm4b:s5+s6], $0x80, s2, s6, $0xb8;
	[tilespmem:$0x2880] =	vst v63  }
0xd: {  	p0 =	sne.s32 s10, $0x1;
	_ =	swait.ge [sflag:s8], $0x2800  }
.Ltmp0:
0xe: {  	[sflag:s8] =	ssyncset.done $0x0;
	(pc) =	sbr.rel @!p0 .LBB2_2-.Ltmp0, $4  }
0xf: {  	s9 =	sadd.s32 $0x18F800, s9;
	[sflag:s8] =	ssyncadd.s32 $0xFFFFD800  }
0x10: {  	[hbm4b:s9+s2] =	stream.linear.scatter [tilespmem:s7], [sflag:$0x2], $0x2800, $0x38;
	[tilespmem:$0x2880] =	vst v63  }
0x11: {  	_ =	swait.ge [sflag:s3], $0x2800  }
0x12: {  	s10 =	sadd.s32 $0xFFFFFFFF, s10;
	[sflag:s3] =	ssyncset.done $0x0  }
.LBB2_1:
0x13: {  	p0 =	sne.s32 s10, $0x1;
	s10 =	sadd.s32 $0xFFFFFFFF, s10;
	[sflag:s3] =	ssyncadd.s32 $0xFFFFD800  }
0x14: {  	[tilespmem:s2], [sflag:$0x2] =	stream.linear.gather [hbm4b:s4+s2], $0x50, $0x38;
	[tilespmem:$0x2880] =	vst v63  }
0x15: {  	_ =	swait.ge [sflag:s3], $0x50  }
0x16: {  	[sflag:s3] =	ssyncset.done $0x0  }
0x17: {  	[sflag:s3] =	ssyncadd.s32 $0xFFFFFFB0  }
0x18: {  	[tilespmem:s7], [sflag:$0x1] =	stream.indirect.gather [hbm4b:s5+s6], $0x80, s2, s6, $0xb8;
	[tilespmem:$0x2880] =	vst v63  }
0x19: {  	_ =	swait.ge [sflag:s8], $0x2800  }
.Ltmp1:
0x1a: {  	[sflag:s8] =	ssyncset.done $0x0;
	(pc) =	sbr.rel @p0 .LBB2_1-.Ltmp1, $4  }
0x1b: {  	[sflag:s8] =	ssyncadd.s32 $0xFFFFD800  }
0x1c: {  	[hbm4b:s9+s2] =	stream.linear.scatter [tilespmem:s7], [sflag:$0x2], $0x2800, $0x38;
	[tilespmem:$0x2880] =	vst v63  }
0x1d: {  	_ =	swait.ge [sflag:s3], $0x2800  }
0x1e: {  	[sflag:s3] =	ssyncset.done $0x0  }
.LBB2_2:
0x1f: {  	[sflag:s3] =	ssyncadd.s32 $0xFFFFD800  }
0x20: {  	_ =	sfence.sel $0x180000  }
0x21: {  	[bflag:$0x0] =	sbarrier.arrive $0xFFFF  }
0x22: {  	p0 =	sne.s32 s0, $0x0;
	_ =	strace $0x90000047  }
0x23: {  	s0 =	sadd.s32 @!p0 $0x100000, s1;
	[bflag:$0x2] =	sbarrier.arrive $0xFFFF  }
0x24: {  	[sflag:s0] =	ssyncadd.tile.s32 @!p0 $0x1;
	_ =	shalt  }
.Lfunc_end2:
_tile_overlayer_lowered:
.L_overlay_start_2:
0x25: {  	(tag) =	ssettag $0x2  }
0x26: {  	s0 =	rddreg [dreg:$0x0];
	s2 =	stileid.u32  }
0x27: {  	s1 =	rddreg [dreg:$0x1];
	p0 =	sne.s32 s2, $0x0  }
0x28: {  	s3 =	rddreg [dreg:$0x2];
	[bflag:$0x3] =	sbarrier.arrive $0xFFFF;
	s2 =	simm.s32 @!p0 $0x1C02  }
0x29: {  	[timem:s3], [sflag:s2] =	dma.local @!p0 [hbm:s0], s1  }
0x2a: {  	s0 =	simm.s32 @!p0 $0x2  }
0x2b: {  	_ =	swait.ge @!p0 [sflag:s0], s1  }
0x2c: {  	s1 =	ssub.s32 @!p0 $0x0, s1;
	[sflag:s0] =	ssyncset.done @!p0 $0x0  }
0x2d: {  	[sflag:s0] =	ssyncadd.s32 @!p0 s1  }
0x2e: {  	[bflag:$0x3] =	sbarrier.arrive $0xFFFF  }
0x2f: {  	_ =	shalt  }

// kernel: kernel.15.cloned.1.call-start
scs
__scs_entry_jumppad:
0x0: {  	(pc) =	sbr.rel $0x88, $3  }
0x1: {  	(tag) =	ssettag $0x0;
	lr =	simm.s32 $0x1  }
0x2: {  	[smem:$0x3F9C] =	sst lr;
	_ =	strace $0xD0000000  }
0x3: {  	_ = 	snop  }
0x4: {  	_ = 	snop  }
0x5: {  	_ = 	snop  }
0x6: {  	_ = 	snop  }
0x7: {  	_ = 	snop  }
__scs_overlays_trampoline_lowered:
0x8: {  	[smem:$0x3FAB] =	sst s0  }
0x9: {  	[smem:$0x3FAC] =	sst s1  }
0xa: {  	[smem:$0x3FAD] =	sst s2  }
0xb: {  	[smem:$0x3FAE] =	sst s3  }
0xc: {  	[smem:$0x3FAF] =	sst s4  }
0xd: {  	[smem:$0x3FB0] =	sst s5  }
0xe: {  	[smem:$0x3FB1] =	sst s6  }
0xf: {  	[smem:$0x3FB2] =	sst s7  }
0x10: {  	[smem:$0x3FB3] =	sst s8  }
0x11: {  	[smem:$0x3FB4] =	sst s9;
	s0 =	simm.s32 @!p0 $0x0  }
0x12: {  	s1 =	sld [smem:$0x3F9A];
	s0 =	simm.s32 @p0 $0x1  }
0x13: {  	[smem:$0x3FB5] =	sst s0;
	s0 =	simm.s32 @!p1 $0x0  }
0x14: {  	s2 =	sld [smem:$0x3F99];
	s0 =	simm.s32 @p1 $0x1  }
0x15: {  	[smem:$0x3FB6] =	sst s0;
	s0 =	simm.s32 @!p2 $0x0  }
0x16: {  	s3 =	sld [smem:$0x3FDB];
	s0 =	simm.s32 @p2 $0x1  }
0x17: {  	s4 =	simm.s32 $0x1BF5;
	[smem:$0x3FB8] =	sst s0  }
0x18: {  	s0 =	sld [smem:$0x3F9B];
	_ =	swait.ge [sflag:s4], $0x0  }
0x19: {  	s7 =	sld [smem:$0x3F9C]  }
0x1a: {  	s8 =	sadd.s32 $0xFFFFE003, lr  }
0x1b: {  	s9 =	sadd.s32 $0xFFFFFEF7, lr;
	s5 =	simm.s32 $0xFFFFFFFF;
	p2 =	slt.u32 s8, $0xFFFFF086  }
0x1c: {  	p1 =	slt.u32 s9, $0xF7A;
	s5 =	simm.s32 @!p2 $0x0  }
0x1d: {  	s5 =	simm.s32 @p1 $0x1;
	p0 =	seq.s32 s7, s2  }
0x1e: {  	s7 =	smul.u32 @!p0 $0xF7A, s2;
	p2 =	seq.s32 @!p0 s5, $0x0  }
0x1f: {  	s9 =	smul.u32 $0xF7A, s1;
	s8 =	simm.s32 @!p0 $0x1BF5;
	p2 =	por !p2, p0  }
0x20: {  	[sflag:s8] =	ssyncset.s32 @!p0 $0xFFFFF086;
	s6 =	sadd.s32 @!p0 s3, s7;
	s7 =	simm.s32 @!p0 $0x108  }
0x21: {  	s3 =	sadd.s32 s3, s9;
	s6 =	sadd.s32 @!p0 $0x88, s6;
	s7 =	simm.s32 @p2 $0x1082  }
0x22: {  	[simem:s7], [sflag:s8] =	dma.local @!p0 [hbm:s6], $0xF7A  }
0x23: {  	s9 =	sor.u32 $0xD0000000, s2;
	s6 =	simm.s32 $0x108;
	_ =	swait.ge @!p0 [sflag:s8], $0x0  }
0x24: {  	s3 =	sadd.s32 $0x88, s3;
	s6 =	simm.s32 @!p1 $0x1082;
	[sflag:s4] =	ssyncset.s32 $0xFFFFF086  }
0x25: {  	[simem:s6], [sflag:s4] =	dma.local [hbm:s3], $0xF7A  }
0x26: {  	[smem:$0x3F9C] =	sst s1;
	(tag) =	ssettag s2;
	_ =	strace s9  }
0x27: {  	s1 =	sld [smem:$0x3FAC]  }
0x28: {  	s2 =	sld [smem:$0x3FAD]  }
0x29: {  	s4 =	sld [smem:$0x3FAF]  }
0x2a: {  	p0 =	seq.s32 s5, $0x0;
	s5 =	sld [smem:$0x3FB0]  }
0x2b: {  	s6 =	sld [smem:$0x3FB1]  }
0x2c: {  	s7 =	sld [smem:$0x3FB2]  }
0x2d: {  	s3 =	simm.s32 $0x108;
	s8 =	sld [smem:$0x3FB3]  }
0x2e: {  	s3 =	simm.s32 @!p0 $0x1082;
	s9 =	sld [smem:$0x3FB4]  }
0x2f: {  	lr =	sadd.s32 s0, s3;
	s0 =	sld [smem:$0x3FAB]  }
0x30: {  	s3 =	sld [smem:$0x3FAE]  }
0x31: {  	[smem:$0x3FB7] =	sst s10  }
0x32: {  	s10 =	sld [smem:$0x3FB5];
	_ =	sdelay $0x3  }
0x33: {  	p0 =	seq.s32 s10, $0x1;
	s10 =	sld [smem:$0x3FB7];
	_ =	sdelay $0x3  }
0x34: {  	[smem:$0x3FB7] =	sst s10  }
0x35: {  	s10 =	sld [smem:$0x3FB6];
	_ =	sdelay $0x3  }
0x36: {  	p1 =	seq.s32 s10, $0x1;
	s10 =	sld [smem:$0x3FB7];
	_ =	sdelay $0x3  }
0x37: {  	[smem:$0x3FB7] =	sst s10  }
0x38: {  	s10 =	sld [smem:$0x3FB8]  }
0x39: {  	_ = 	snop;
	(pc) =	sbr.ind lr, $3  }
0x3a: {  	_ = 	snop  }
0x3b: {  	_ = 	snop  }
0x3c: {  	p2 =	seq.s32 s10, $0x1;
	s10 =	sld [smem:$0x3FB7]  }
0x3d: {  	_ =	shalt  }
0x3e: {  	_ =	shalt  }
0x3f: {  	_ =	shalt  }
0x40: {  	_ =	shalt  }
0x41: {  	_ =	shalt  }
0x42: {  	_ =	shalt  }
0x43: {  	_ =	shalt  }
0x44: {  	_ =	shalt  }
0x45: {  	_ =	shalt  }
0x46: {  	_ =	shalt  }
0x47: {  	_ =	shalt  }
0x48: {  	_ =	shalt  }
0x49: {  	_ =	shalt  }
0x4a: {  	_ =	shalt  }
0x4b: {  	_ =	shalt  }
0x4c: {  	_ =	shalt  }
0x4d: {  	_ =	shalt  }
0x4e: {  	_ =	shalt  }
0x4f: {  	_ =	shalt  }
0x50: {  	_ =	shalt  }
0x51: {  	_ =	shalt  }
0x52: {  	_ =	shalt  }
0x53: {  	_ =	shalt  }
0x54: {  	_ =	shalt  }
0x55: {  	_ =	shalt  }
0x56: {  	_ =	shalt  }
0x57: {  	_ =	shalt  }
0x58: {  	_ =	shalt  }
0x59: {  	_ =	shalt  }
0x5a: {  	_ =	shalt  }
0x5b: {  	_ =	shalt  }
0x5c: {  	_ =	shalt  }
0x5d: {  	_ =	shalt  }
0x5e: {  	_ =	shalt  }
0x5f: {  	_ =	shalt  }
0x60: {  	_ =	shalt  }
0x61: {  	_ =	shalt  }
0x62: {  	_ =	shalt  }
0x63: {  	_ =	shalt  }
0x64: {  	_ =	shalt  }
0x65: {  	_ =	shalt  }
0x66: {  	_ =	shalt  }
0x67: {  	_ =	shalt  }
0x68: {  	_ =	shalt  }
0x69: {  	_ =	shalt  }
0x6a: {  	_ =	shalt  }
0x6b: {  	_ =	shalt  }
0x6c: {  	_ =	shalt  }
0x6d: {  	_ =	shalt  }
0x6e: {  	_ =	shalt  }
0x6f: {  	_ =	shalt  }
0x70: {  	_ =	shalt  }
0x71: {  	_ =	shalt  }
0x72: {  	_ =	shalt  }
0x73: {  	_ =	shalt  }
0x74: {  	_ =	shalt  }
0x75: {  	_ =	shalt  }
0x76: {  	_ =	shalt  }
0x77: {  	_ =	shalt  }
0x78: {  	_ =	shalt  }
0x79: {  	_ =	shalt  }
0x7a: {  	_ =	shalt  }
0x7b: {  	_ =	shalt  }
0x7c: {  	_ =	shalt  }
0x7d: {  	_ =	shalt  }
0x7e: {  	_ =	shalt  }
0x7f: {  	_ =	shalt  }
0x80: {  	_ =	shalt  }
0x81: {  	_ =	shalt  }
0x82: {  	_ =	shalt  }
0x83: {  	_ =	shalt  }
0x84: {  	_ =	shalt  }
0x85: {  	_ =	shalt  }
0x86: {  	_ =	shalt  }
0x87: {  	_ =	shalt  }
.Lfunc_end0:
.L_simem_size_0:
called_computation.1_lowered:
.L_overlay_start_0:
0x88: {  	s2 =	sld [smem:$0x3FD9]  }
0x89: {  	s3 =	sld [smem:$0x3FFE];
	_ =	sdelay $0x1  }
0x8a: {  	s1 =	srdreg.scid  }
0x8b: {  	s0 =	sand.u32 $0x1, s1  }
0x8c: {  	s17 =	sshll.u32 s0, $0xA;
	s2 =	sadd.s32 s3, s2  }
0x8d: {  	s2 =	sadd.s32 s2, s17  }
0x8e: {  	[smem:$0x3FC3] =	sst s2  }
0x8f: {  	_ = 	snop  }
0x90: {  	(tm) =	ssettm $0x1  }
0x91: {  	s18 =	sld [smem:$0x3FFB];
	_ =	sdelay $0x3  }
0x92: {  	_ =	strace s18  }
0x93: {  	s2 =	sld [smem:$0x3FFC];
	_ =	sdelay $0x3  }
0x94: {  	_ =	strace s2  }
0x95: {  	s2 =	sld [smem:$0x3FFD];
	_ =	sdelay $0x3  }
0x96: {  	_ =	strace s2  }
0x97: {  	_ =	strace $0x8FFFFFFF  }
0x98: {  	s19 =	sld [smem:$0x3FDB];
	_ =	sdelay $0x1  }
0x99: {  	s20 =	simm.s32 $_scs_section_size  }
0x9a: {  	s4 =	simm.s32 $_size__tile_overlayer_lowered;
	s5 =	simm.s32 $_tile_overlayer_lowered  }
0x9b: {  	s6 =	simm.s32 $0x1BFF;
	s21 =	sshll.u32 s5, $0x1;
	s3 =	sadd.s32 s20, s19  }
0x9c: {  	s22 =	simm.s32 $0x0;
	s4 =	sshll.u32 s4, $0x1;
	s5 =	sadd.s32 s21, s3  }
0x9d: {  	[timem:s22], [sflag:s6] =	dma.local [hbm:s5], s4  }
0x9e: {  	_ =	swait.ge [sflag:s6], s4  }
0x9f: {  	s4 =	ssub.s32 $0x0, s4;
	[sflag:s6] =	ssyncset.done $0x0  }
0xa0: {  	[sflag:s6] =	ssyncadd.s32 s4;
	_ =	sdelay $0x1  }
0xa1: {  	s23 =	simm.s32 $0x1B8B  }
0xa2: {  	_ =	swait.ge [sflag:s23], $0x1  }
0xa3: {  	[sflag:s23] =	ssyncset.done $0x0  }
0xa4: {  	[sflag:s23] =	ssyncadd.s32 $0xFFFFFFFF  }
0xa5: {  	s4 =	sld [smem:$0x0]  }
0xa6: {  	s5 =	sand.u32 $0xFFFFFFFE, s1  }
0xa7: {  	p0 =	sne.s32 s1, s5  }
0xa8: {  	s5 =	sshll.u32 @p0 s5, $0xE  }
0xa9: {  	s5 =	sadd.s32 @p0 $0x11B8D, s5;
	s6 =	sshll.u32 @p0 s4, $0x11  }
0xaa: {  	s5 =	sor.u32 @p0 s6, s5  }
0xab: {  	[sflag:s5] =	ssyncadd.remote.s32 @p0 $0x1;
	_ =	sdelay $0x1  }
0xac: {  	s5 =	simm.s32 @p0 $0x1B8D  }
0xad: {  	_ =	swait.eq @p0 [sflag:s5], $0x1  }
0xae: {  	[sflag:s5] =	ssyncadd.s32 @p0 $0xFFFFFFFF  }
0xaf: {  	s6 =	sshll.u32 @!p0 s1, $0xE  }
0xb0: {  	s6 =	sor.u32 @!p0 $0x4000, s6;
	s5 =	simm.s32 @!p0 $0x1B8D  }
0xb1: {  	s4 =	sshll.u32 @!p0 s4, $0x11;
	s6 =	sadd.s32 @!p0 $0x11B8D, s6;
	_ =	swait.eq @!p0 [sflag:s5], $0x1  }
0xb2: {  	s4 =	sor.u32 @!p0 s4, s6;
	[sflag:s5] =	ssyncadd.s32 @!p0 $0xFFFFFFFF  }
0xb3: {  	s25 =	simm.s32 $0x1B8E;
	s24 =	sld [smem:$0x3FFE];
	[sflag:s4] =	ssyncadd.remote.s32 @!p0 $0x1  }
0xb4: {  	s26 =	simm.s32 $execute0_lowered;
	[smem:$0x3FD2] =	sst s25  }
0xb5: {  	s5 =	sshll.u32 s26, $0x1;
	_ =	strace $0x80000049;
	[dreg:$0x1] =	wrdreg $0xFFFFFFFF  }
0xb6: {  	s28 =	simm.s32 $_size_execute0_lowered;
	s3 =	sadd.s32 s3, s5;
	[dreg:$0x0] =	wrdreg $0x0  }
0xb7: {  	s5 =	sshll.u32 s28, $0x1;
	[dreg:$0x2] =	wrdreg s3  }
0xb8: {  	[dreg:$0x3] =	wrdreg s5  }
0xb9: {  	[dreg:$0x4] =	wrdreg $0xC0  }
0xba: {  	_ =	task [dreg:s22], $0x5FFFF  }
0xbb: {  	[dreg:$0x1] =	wrdreg $0xFFFFFFFF  }
0xbc: {  	[dreg:$0x0] =	wrdreg $0x60  }
0xbd: {  	[dreg:$0x2] =	wrdreg s24  }
0xbe: {  	[dreg:$0x3] =	wrdreg $0x9  }
0xbf: {  	_ =	task.clear_ibuf [dreg:s22], $0x4FFFF;
	_ =	strace $0x90000049  }
0xc0: {  	s29 =	simm.s32 $0x9;
	_ =	strace $0x8000004B  }
0xc1: {  	_ =	swait.ge [sflag:s29], $0x1  }
0xc2: {  	[sflag:s29] =	ssyncadd.s32 $0xFFFFFFFF  }
0xc3: {  	_ =	strace $0x9000004B  }
0xc4: {  	_ =	sfence  }
0xc5: {  	s30 =	sld [smem:$0x0];
	_ =	sdelay $0x2  }
0xc6: {  	s31 =	sshll.u32 s1, $0xD;
	s1 =	sshrl.u32 s1, $0x2  }
0xc7: {  	s4 =	sand.u32 $0x4000, s31;
	s1 =	sadd.s32 s1, s30  }
0xc8: {  	s0 =	sor.u32 s4, s0;
	s1 =	sshll.u32 s1, $0x11  }
0xc9: {  	s0 =	sor.u32 s1, s0  }
0xca: {  	s0 =	sadd.s32 $0x8F2B, s0  }
0xcb: {  	[sflag:s0] =	ssyncadd.remote.s32 $0x1  }
0xcc: {  	_ =	sfence.sel $0xFFFF  }
0xcd: {  	[dreg:$0x0] =	wrdreg $0xFFFFFFFF;
	(pc) =	sbr.abs _section_cstart, $3  }
0xce: {  	[dreg:$0x1] =	wrdreg $0xFFFFFFFF  }
0xcf: {  	_ =	task.clear_ibuf [dreg:s22], $0x2FFFF;
	_ =	strace $0x9FFFFFFF  }
0xd0: {  	(tm) =	ssettm $0x7FFFFFFF  }
0xd1: {  	_ =	shalt  }
tec
execute0_lowered:
.L_overlay_start_1:
0x0: {  	(tag) =	ssettag $0x1  }
0x1: {  	s1 =	srdreg.scid;
	s0 =	stileid.u32  }
0x2: {  	s6 =	sand.u32 $0x1, s1;
	s30 =	sshll.u32 s0, $0x1  }
0x3: {  	s9 =	rddreg [dreg:$0x0];
	s7 =	sor.u32 s6, s30  }
0x4: {  	s2 =	simm.s32 $0x0;
	s1 =	rddreg [dreg:$0x1];
	s3 =	smul.u32 $0xA, s7  }
0x5: {  	s8 =	simm.s32 $0x1;
	[smem:$0x7FF] =	sst s2;
	s5 =	sadd.s32 $0x4000, s9  }
0x6: {  	_ =	strace $0x8000004A;
	s11 =	ssub.s32 $0x2, s6;
	s3 =	sadd.s32 s3, s9  }
0x7: {  	s6 =	simm.s32 $0x50;
	s4 =	sadd.s32 $0x18F600, s3;
	s3 =	simm.s32 $0x2  }
0x8: {  	[tilespmem:s2], [sflag:$0x2] =	stream.linear.gather [hbm4b:s4+s2], $0x50, $0x38;
	[tilespmem:$0x2880] =	vst v63  }
0x9: {  	s10 =	smul.u32 $0x500, s7;
	s12 =	sshrl.u32 s11, $0x1;
	_ =	swait.ge [sflag:s3], $0x50  }
0xa: {  	s7 =	simm.s32 $0x80;
	s31 =	ssub.s32 s11, s12;
	[sflag:s3] =	ssyncset.done $0x0  }
0xb: {  	s9 =	sadd.s32 s10, s9;
	s10 =	smax.u32 s31, $0x1;
	[sflag:s3] =	ssyncadd.s32 $0xFFFFFFB0  }
0xc: {  	[tilespmem:s7], [sflag:$0x1] =	stream.indirect.gather [hbm4b:s5+s6], $0x80, s2, s6, $0xb8;
	[tilespmem:$0x2880] =	vst v63  }
0xd: {  	p0 =	sne.s32 s10, $0x1;
	_ =	swait.ge [sflag:s8], $0x2800  }
.Ltmp0:
0xe: {  	[sflag:s8] =	ssyncset.done $0x0;
	(pc) =	sbr.rel @!p0 .LBB2_2-.Ltmp0, $4  }
0xf: {  	s9 =	sadd.s32 $0x199800, s9;
	[sflag:s8] =	ssyncadd.s32 $0xFFFFD800  }
0x10: {  	[hbm4b:s9+s2] =	stream.linear.scatter [tilespmem:s7], [sflag:$0x2], $0x2800, $0x38;
	[tilespmem:$0x2880] =	vst v63  }
0x11: {  	_ =	swait.ge [sflag:s3], $0x2800  }
0x12: {  	s10 =	sadd.s32 $0xFFFFFFFF, s10;
	[sflag:s3] =	ssyncset.done $0x0  }
.LBB2_1:
0x13: {  	p0 =	sne.s32 s10, $0x1;
	s10 =	sadd.s32 $0xFFFFFFFF, s10;
	[sflag:s3] =	ssyncadd.s32 $0xFFFFD800  }
0x14: {  	[tilespmem:s2], [sflag:$0x2] =	stream.linear.gather [hbm4b:s4+s2], $0x50, $0x38;
	[tilespmem:$0x2880] =	vst v63  }
0x15: {  	_ =	swait.ge [sflag:s3], $0x50  }
0x16: {  	[sflag:s3] =	ssyncset.done $0x0  }
0x17: {  	[sflag:s3] =	ssyncadd.s32 $0xFFFFFFB0  }
0x18: {  	[tilespmem:s7], [sflag:$0x1] =	stream.indirect.gather [hbm4b:s5+s6], $0x80, s2, s6, $0xb8;
	[tilespmem:$0x2880] =	vst v63  }
0x19: {  	_ =	swait.ge [sflag:s8], $0x2800  }
.Ltmp1:
0x1a: {  	[sflag:s8] =	ssyncset.done $0x0;
	(pc) =	sbr.rel @p0 .LBB2_1-.Ltmp1, $4  }
0x1b: {  	[sflag:s8] =	ssyncadd.s32 $0xFFFFD800  }
0x1c: {  	[hbm4b:s9+s2] =	stream.linear.scatter [tilespmem:s7], [sflag:$0x2], $0x2800, $0x38;
	[tilespmem:$0x2880] =	vst v63  }
0x1d: {  	_ =	swait.ge [sflag:s3], $0x2800  }
0x1e: {  	[sflag:s3] =	ssyncset.done $0x0  }
.LBB2_2:
0x1f: {  	[sflag:s3] =	ssyncadd.s32 $0xFFFFD800  }
0x20: {  	_ =	sfence.sel $0x180000  }
0x21: {  	[bflag:$0x0] =	sbarrier.arrive $0xFFFF  }
0x22: {  	p0 =	sne.s32 s0, $0x0;
	_ =	strace $0x9000004A  }
0x23: {  	s0 =	sadd.s32 @!p0 $0x100000, s1;
	[bflag:$0x2] =	sbarrier.arrive $0xFFFF  }
0x24: {  	[sflag:s0] =	ssyncadd.tile.s32 @!p0 $0x1;
	_ =	shalt  }
.Lfunc_end2:
_tile_overlayer_lowered:
.L_overlay_start_2:
0x25: {  	(tag) =	ssettag $0x2  }
0x26: {  	s0 =	rddreg [dreg:$0x0];
	s2 =	stileid.u32  }
0x27: {  	s1 =	rddreg [dreg:$0x1];
	p0 =	sne.s32 s2, $0x0  }
0x28: {  	s3 =	rddreg [dreg:$0x2];
	[bflag:$0x3] =	sbarrier.arrive $0xFFFF;
	s2 =	simm.s32 @!p0 $0x1C02  }
0x29: {  	[timem:s3], [sflag:s2] =	dma.local @!p0 [hbm:s0], s1  }
0x2a: {  	s0 =	simm.s32 @!p0 $0x2  }
0x2b: {  	_ =	swait.ge @!p0 [sflag:s0], s1  }
0x2c: {  	s1 =	ssub.s32 @!p0 $0x0, s1;
	[sflag:s0] =	ssyncset.done @!p0 $0x0  }
0x2d: {  	[sflag:s0] =	ssyncadd.s32 @!p0 s1  }
0x2e: {  	[bflag:$0x3] =	sbarrier.arrive $0xFFFF  }
0x2f: {  	_ =	shalt  }

// kernel: kernel.18.cloned.1.call-start
scs
__scs_entry_jumppad:
0x0: {  	(pc) =	sbr.rel $0x88, $3  }
0x1: {  	(tag) =	ssettag $0x0;
	lr =	simm.s32 $0x1  }
0x2: {  	[smem:$0x3F9C] =	sst lr;
	_ =	strace $0xD0000000  }
0x3: {  	_ = 	snop  }
0x4: {  	_ = 	snop  }
0x5: {  	_ = 	snop  }
0x6: {  	_ = 	snop  }
0x7: {  	_ = 	snop  }
__scs_overlays_trampoline_lowered:
0x8: {  	[smem:$0x3FAB] =	sst s0  }
0x9: {  	[smem:$0x3FAC] =	sst s1  }
0xa: {  	[smem:$0x3FAD] =	sst s2  }
0xb: {  	[smem:$0x3FAE] =	sst s3  }
0xc: {  	[smem:$0x3FAF] =	sst s4  }
0xd: {  	[smem:$0x3FB0] =	sst s5  }
0xe: {  	[smem:$0x3FB1] =	sst s6  }
0xf: {  	[smem:$0x3FB2] =	sst s7  }
0x10: {  	[smem:$0x3FB3] =	sst s8  }
0x11: {  	[smem:$0x3FB4] =	sst s9;
	s0 =	simm.s32 @!p0 $0x0  }
0x12: {  	s1 =	sld [smem:$0x3F9A];
	s0 =	simm.s32 @p0 $0x1  }
0x13: {  	[smem:$0x3FB5] =	sst s0;
	s0 =	simm.s32 @!p1 $0x0  }
0x14: {  	s2 =	sld [smem:$0x3F99];
	s0 =	simm.s32 @p1 $0x1  }
0x15: {  	[smem:$0x3FB6] =	sst s0;
	s0 =	simm.s32 @!p2 $0x0  }
0x16: {  	s3 =	sld [smem:$0x3FDB];
	s0 =	simm.s32 @p2 $0x1  }
0x17: {  	s4 =	simm.s32 $0x1BF5;
	[smem:$0x3FB8] =	sst s0  }
0x18: {  	s0 =	sld [smem:$0x3F9B];
	_ =	swait.ge [sflag:s4], $0x0  }
0x19: {  	s7 =	sld [smem:$0x3F9C]  }
0x1a: {  	s8 =	sadd.s32 $0xFFFFE003, lr  }
0x1b: {  	s9 =	sadd.s32 $0xFFFFFEF7, lr;
	s5 =	simm.s32 $0xFFFFFFFF;
	p2 =	slt.u32 s8, $0xFFFFF086  }
0x1c: {  	p1 =	slt.u32 s9, $0xF7A;
	s5 =	simm.s32 @!p2 $0x0  }
0x1d: {  	s5 =	simm.s32 @p1 $0x1;
	p0 =	seq.s32 s7, s2  }
0x1e: {  	s7 =	smul.u32 @!p0 $0xF7A, s2;
	p2 =	seq.s32 @!p0 s5, $0x0  }
0x1f: {  	s9 =	smul.u32 $0xF7A, s1;
	s8 =	simm.s32 @!p0 $0x1BF5;
	p2 =	por !p2, p0  }
0x20: {  	[sflag:s8] =	ssyncset.s32 @!p0 $0xFFFFF086;
	s6 =	sadd.s32 @!p0 s3, s7;
	s7 =	simm.s32 @!p0 $0x108  }
0x21: {  	s3 =	sadd.s32 s3, s9;
	s6 =	sadd.s32 @!p0 $0x88, s6;
	s7 =	simm.s32 @p2 $0x1082  }
0x22: {  	[simem:s7], [sflag:s8] =	dma.local @!p0 [hbm:s6], $0xF7A  }
0x23: {  	s9 =	sor.u32 $0xD0000000, s2;
	s6 =	simm.s32 $0x108;
	_ =	swait.ge @!p0 [sflag:s8], $0x0  }
0x24: {  	s3 =	sadd.s32 $0x88, s3;
	s6 =	simm.s32 @!p1 $0x1082;
	[sflag:s4] =	ssyncset.s32 $0xFFFFF086  }
0x25: {  	[simem:s6], [sflag:s4] =	dma.local [hbm:s3], $0xF7A  }
0x26: {  	[smem:$0x3F9C] =	sst s1;
	(tag) =	ssettag s2;
	_ =	strace s9  }
0x27: {  	s1 =	sld [smem:$0x3FAC]  }
0x28: {  	s2 =	sld [smem:$0x3FAD]  }
0x29: {  	s4 =	sld [smem:$0x3FAF]  }
0x2a: {  	p0 =	seq.s32 s5, $0x0;
	s5 =	sld [smem:$0x3FB0]  }
0x2b: {  	s6 =	sld [smem:$0x3FB1]  }
0x2c: {  	s7 =	sld [smem:$0x3FB2]  }
0x2d: {  	s3 =	simm.s32 $0x108;
	s8 =	sld [smem:$0x3FB3]  }
0x2e: {  	s3 =	simm.s32 @!p0 $0x1082;
	s9 =	sld [smem:$0x3FB4]  }
0x2f: {  	lr =	sadd.s32 s0, s3;
	s0 =	sld [smem:$0x3FAB]  }
0x30: {  	s3 =	sld [smem:$0x3FAE]  }
0x31: {  	[smem:$0x3FB7] =	sst s10  }
0x32: {  	s10 =	sld [smem:$0x3FB5];
	_ =	sdelay $0x3  }
0x33: {  	p0 =	seq.s32 s10, $0x1;
	s10 =	sld [smem:$0x3FB7];
	_ =	sdelay $0x3  }
0x34: {  	[smem:$0x3FB7] =	sst s10  }
0x35: {  	s10 =	sld [smem:$0x3FB6];
	_ =	sdelay $0x3  }
0x36: {  	p1 =	seq.s32 s10, $0x1;
	s10 =	sld [smem:$0x3FB7];
	_ =	sdelay $0x3  }
0x37: {  	[smem:$0x3FB7] =	sst s10  }
0x38: {  	s10 =	sld [smem:$0x3FB8]  }
0x39: {  	_ = 	snop;
	(pc) =	sbr.ind lr, $3  }
0x3a: {  	_ = 	snop  }
0x3b: {  	_ = 	snop  }
0x3c: {  	p2 =	seq.s32 s10, $0x1;
	s10 =	sld [smem:$0x3FB7]  }
0x3d: {  	_ =	shalt  }
0x3e: {  	_ =	shalt  }
0x3f: {  	_ =	shalt  }
0x40: {  	_ =	shalt  }
0x41: {  	_ =	shalt  }
0x42: {  	_ =	shalt  }
0x43: {  	_ =	shalt  }
0x44: {  	_ =	shalt  }
0x45: {  	_ =	shalt  }
0x46: {  	_ =	shalt  }
0x47: {  	_ =	shalt  }
0x48: {  	_ =	shalt  }
0x49: {  	_ =	shalt  }
0x4a: {  	_ =	shalt  }
0x4b: {  	_ =	shalt  }
0x4c: {  	_ =	shalt  }
0x4d: {  	_ =	shalt  }
0x4e: {  	_ =	shalt  }
0x4f: {  	_ =	shalt  }
0x50: {  	_ =	shalt  }
0x51: {  	_ =	shalt  }
0x52: {  	_ =	shalt  }
0x53: {  	_ =	shalt  }
0x54: {  	_ =	shalt  }
0x55: {  	_ =	shalt  }
0x56: {  	_ =	shalt  }
0x57: {  	_ =	shalt  }
0x58: {  	_ =	shalt  }
0x59: {  	_ =	shalt  }
0x5a: {  	_ =	shalt  }
0x5b: {  	_ =	shalt  }
0x5c: {  	_ =	shalt  }
0x5d: {  	_ =	shalt  }
0x5e: {  	_ =	shalt  }
0x5f: {  	_ =	shalt  }
0x60: {  	_ =	shalt  }
0x61: {  	_ =	shalt  }
0x62: {  	_ =	shalt  }
0x63: {  	_ =	shalt  }
0x64: {  	_ =	shalt  }
0x65: {  	_ =	shalt  }
0x66: {  	_ =	shalt  }
0x67: {  	_ =	shalt  }
0x68: {  	_ =	shalt  }
0x69: {  	_ =	shalt  }
0x6a: {  	_ =	shalt  }
0x6b: {  	_ =	shalt  }
0x6c: {  	_ =	shalt  }
0x6d: {  	_ =	shalt  }
0x6e: {  	_ =	shalt  }
0x6f: {  	_ =	shalt  }
0x70: {  	_ =	shalt  }
0x71: {  	_ =	shalt  }
0x72: {  	_ =	shalt  }
0x73: {  	_ =	shalt  }
0x74: {  	_ =	shalt  }
0x75: {  	_ =	shalt  }
0x76: {  	_ =	shalt  }
0x77: {  	_ =	shalt  }
0x78: {  	_ =	shalt  }
0x79: {  	_ =	shalt  }
0x7a: {  	_ =	shalt  }
0x7b: {  	_ =	shalt  }
0x7c: {  	_ =	shalt  }
0x7d: {  	_ =	shalt  }
0x7e: {  	_ =	shalt  }
0x7f: {  	_ =	shalt  }
0x80: {  	_ =	shalt  }
0x81: {  	_ =	shalt  }
0x82: {  	_ =	shalt  }
0x83: {  	_ =	shalt  }
0x84: {  	_ =	shalt  }
0x85: {  	_ =	shalt  }
0x86: {  	_ =	shalt  }
0x87: {  	_ =	shalt  }
.Lfunc_end0:
.L_simem_size_0:
called_computation.2_lowered:
.L_overlay_start_0:
0x88: {  	s2 =	sld [smem:$0x3FD9]  }
0x89: {  	s3 =	sld [smem:$0x3FFE];
	_ =	sdelay $0x1  }
0x8a: {  	s1 =	srdreg.scid  }
0x8b: {  	s0 =	sand.u32 $0x1, s1  }
0x8c: {  	s17 =	sshll.u32 s0, $0xA;
	s2 =	sadd.s32 s3, s2  }
0x8d: {  	s2 =	sadd.s32 s2, s17  }
0x8e: {  	[smem:$0x3FC3] =	sst s2  }
0x8f: {  	_ = 	snop  }
0x90: {  	(tm) =	ssettm $0x1  }
0x91: {  	s18 =	sld [smem:$0x3FFB];
	_ =	sdelay $0x3  }
0x92: {  	_ =	strace s18  }
0x93: {  	s2 =	sld [smem:$0x3FFC];
	_ =	sdelay $0x3  }
0x94: {  	_ =	strace s2  }
0x95: {  	s2 =	sld [smem:$0x3FFD];
	_ =	sdelay $0x3  }
0x96: {  	_ =	strace s2  }
0x97: {  	_ =	strace $0x8FFFFFFF  }
0x98: {  	s19 =	sld [smem:$0x3FDB];
	_ =	sdelay $0x1  }
0x99: {  	s20 =	simm.s32 $_scs_section_size  }
0x9a: {  	s4 =	simm.s32 $_size__tile_overlayer_lowered;
	s5 =	simm.s32 $_tile_overlayer_lowered  }
0x9b: {  	s6 =	simm.s32 $0x1BFF;
	s21 =	sshll.u32 s5, $0x1;
	s3 =	sadd.s32 s20, s19  }
0x9c: {  	s22 =	simm.s32 $0x0;
	s4 =	sshll.u32 s4, $0x1;
	s5 =	sadd.s32 s21, s3  }
0x9d: {  	[timem:s22], [sflag:s6] =	dma.local [hbm:s5], s4  }
0x9e: {  	_ =	swait.ge [sflag:s6], s4  }
0x9f: {  	s4 =	ssub.s32 $0x0, s4;
	[sflag:s6] =	ssyncset.done $0x0  }
0xa0: {  	[sflag:s6] =	ssyncadd.s32 s4;
	_ =	sdelay $0x1  }
0xa1: {  	s23 =	simm.s32 $0x1B8B  }
0xa2: {  	_ =	swait.ge [sflag:s23], $0x1  }
0xa3: {  	[sflag:s23] =	ssyncset.done $0x0  }
0xa4: {  	[sflag:s23] =	ssyncadd.s32 $0xFFFFFFFF  }
0xa5: {  	s4 =	sld [smem:$0x0]  }
0xa6: {  	s5 =	sand.u32 $0xFFFFFFFE, s1  }
0xa7: {  	p0 =	sne.s32 s1, s5  }
0xa8: {  	s5 =	sshll.u32 @p0 s5, $0xE  }
0xa9: {  	s5 =	sadd.s32 @p0 $0x11B8D, s5;
	s6 =	sshll.u32 @p0 s4, $0x11  }
0xaa: {  	s5 =	sor.u32 @p0 s6, s5  }
0xab: {  	[sflag:s5] =	ssyncadd.remote.s32 @p0 $0x1;
	_ =	sdelay $0x1  }
0xac: {  	s5 =	simm.s32 @p0 $0x1B8D  }
0xad: {  	_ =	swait.eq @p0 [sflag:s5], $0x1  }
0xae: {  	[sflag:s5] =	ssyncadd.s32 @p0 $0xFFFFFFFF  }
0xaf: {  	s6 =	sshll.u32 @!p0 s1, $0xE  }
0xb0: {  	s6 =	sor.u32 @!p0 $0x4000, s6;
	s5 =	simm.s32 @!p0 $0x1B8D  }
0xb1: {  	s4 =	sshll.u32 @!p0 s4, $0x11;
	s6 =	sadd.s32 @!p0 $0x11B8D, s6;
	_ =	swait.eq @!p0 [sflag:s5], $0x1  }
0xb2: {  	s4 =	sor.u32 @!p0 s4, s6;
	[sflag:s5] =	ssyncadd.s32 @!p0 $0xFFFFFFFF  }
0xb3: {  	s25 =	simm.s32 $0x1B8E;
	s24 =	sld [smem:$0x3FFE];
	[sflag:s4] =	ssyncadd.remote.s32 @!p0 $0x1  }
0xb4: {  	s26 =	simm.s32 $execute0_lowered;
	[smem:$0x3FD2] =	sst s25  }
0xb5: {  	s5 =	sshll.u32 s26, $0x1;
	_ =	strace $0x8000004C;
	[dreg:$0x1] =	wrdreg $0xFFFFFFFF  }
0xb6: {  	s28 =	simm.s32 $_size_execute0_lowered;
	s3 =	sadd.s32 s3, s5;
	[dreg:$0x0] =	wrdreg $0x0  }
0xb7: {  	s5 =	sshll.u32 s28, $0x1;
	[dreg:$0x2] =	wrdreg s3  }
0xb8: {  	[dreg:$0x3] =	wrdreg s5  }
0xb9: {  	[dreg:$0x4] =	wrdreg $0xC0  }
0xba: {  	_ =	task [dreg:s22], $0x5FFFF  }
0xbb: {  	[dreg:$0x1] =	wrdreg $0xFFFFFFFF  }
0xbc: {  	[dreg:$0x0] =	wrdreg $0x60  }
0xbd: {  	[dreg:$0x2] =	wrdreg s24  }
0xbe: {  	[dreg:$0x3] =	wrdreg $0xA  }
0xbf: {  	_ =	task.clear_ibuf [dreg:s22], $0x4FFFF;
	_ =	strace $0x9000004C  }
0xc0: {  	s29 =	simm.s32 $0xA;
	_ =	strace $0x8000004E  }
0xc1: {  	_ =	swait.ge [sflag:s29], $0x1  }
0xc2: {  	[sflag:s29] =	ssyncadd.s32 $0xFFFFFFFF  }
0xc3: {  	_ =	strace $0x9000004E  }
0xc4: {  	_ =	sfence  }
0xc5: {  	s30 =	sld [smem:$0x0];
	_ =	sdelay $0x2  }
0xc6: {  	s31 =	sshll.u32 s1, $0xD;
	s1 =	sshrl.u32 s1, $0x2  }
0xc7: {  	s4 =	sand.u32 $0x4000, s31;
	s1 =	sadd.s32 s1, s30  }
0xc8: {  	s0 =	sor.u32 s4, s0;
	s1 =	sshll.u32 s1, $0x11  }
0xc9: {  	s0 =	sor.u32 s1, s0  }
0xca: {  	s0 =	sadd.s32 $0x8F2B, s0  }
0xcb: {  	[sflag:s0] =	ssyncadd.remote.s32 $0x1  }
0xcc: {  	_ =	sfence.sel $0xFFFF  }
0xcd: {  	[dreg:$0x0] =	wrdreg $0xFFFFFFFF;
	(pc) =	sbr.abs _section_cstart, $3  }
0xce: {  	[dreg:$0x1] =	wrdreg $0xFFFFFFFF  }
0xcf: {  	_ =	task.clear_ibuf [dreg:s22], $0x2FFFF;
	_ =	strace $0x9FFFFFFF  }
0xd0: {  	(tm) =	ssettm $0x7FFFFFFF  }
0xd1: {  	_ =	shalt  }
tec
execute0_lowered:
.L_overlay_start_1:
0x0: {  	(tag) =	ssettag $0x1  }
0x1: {  	s1 =	srdreg.scid;
	s0 =	stileid.u32  }
0x2: {  	s6 =	sand.u32 $0x1, s1;
	s30 =	sshll.u32 s0, $0x1  }
0x3: {  	s9 =	rddreg [dreg:$0x0];
	s7 =	sor.u32 s6, s30  }
0x4: {  	s2 =	simm.s32 $0x0;
	s1 =	rddreg [dreg:$0x1];
	s3 =	smul.u32 $0x32, s7  }
0x5: {  	s8 =	simm.s32 $0x1;
	[smem:$0x7FF] =	sst s2;
	s5 =	sadd.s32 $0x4000, s9  }
0x6: {  	_ =	strace $0x8000004D;
	s11 =	ssub.s32 $0x2, s6;
	s3 =	sadd.s32 s3, s9  }
0x7: {  	s6 =	simm.s32 $0x190;
	s4 =	sadd.s32 $0x18F800, s3;
	s3 =	simm.s32 $0x2  }
0x8: {  	[tilespmem:s2], [sflag:$0x2] =	stream.linear.gather [hbm4b:s4+s2], $0x190, $0x38;
	[tilespmem:$0xCA00] =	vst v63  }
0x9: {  	s10 =	smul.u32 $0x1900, s7;
	s12 =	sshrl.u32 s11, $0x1;
	_ =	swait.ge [sflag:s3], $0x190  }
0xa: {  	s7 =	simm.s32 $0x200;
	s31 =	ssub.s32 s11, s12;
	[sflag:s3] =	ssyncset.done $0x0  }
0xb: {  	s9 =	sadd.s32 s10, s9;
	s10 =	smax.u32 s31, $0x1;
	[sflag:s3] =	ssyncadd.s32 $0xFFFFFE70  }
0xc: {  	[tilespmem:s7], [sflag:$0x1] =	stream.indirect.gather [hbm4b:s5+s6], $0x80, s2, s6, $0xb8;
	[tilespmem:$0xCA00] =	vst v63  }
0xd: {  	p0 =	sne.s32 s10, $0x1;
	_ =	swait.ge [sflag:s8], $0xC800  }
.Ltmp0:
0xe: {  	[sflag:s8] =	ssyncset.done $0x0;
	(pc) =	sbr.rel @!p0 .LBB2_2-.Ltmp0, $4  }
0xf: {  	s9 =	sadd.s32 $0xC7600, s9;
	[sflag:s8] =	ssyncadd.s32 $0xFFFF3800  }
0x10: {  	[hbm4b:s9+s2] =	stream.linear.scatter [tilespmem:s7], [sflag:$0x2], $0xC800, $0x38;
	[tilespmem:$0xCA00] =	vst v63  }
0x11: {  	_ =	swait.ge [sflag:s3], $0xC800  }
0x12: {  	s10 =	sadd.s32 $0xFFFFFFFF, s10;
	[sflag:s3] =	ssyncset.done $0x0  }
.LBB2_1:
0x13: {  	p0 =	sne.s32 s10, $0x1;
	s10 =	sadd.s32 $0xFFFFFFFF, s10;
	[sflag:s3] =	ssyncadd.s32 $0xFFFF3800  }
0x14: {  	[tilespmem:s2], [sflag:$0x2] =	stream.linear.gather [hbm4b:s4+s2], $0x190, $0x38;
	[tilespmem:$0xCA00] =	vst v63  }
0x15: {  	_ =	swait.ge [sflag:s3], $0x190  }
0x16: {  	[sflag:s3] =	ssyncset.done $0x0  }
0x17: {  	[sflag:s3] =	ssyncadd.s32 $0xFFFFFE70  }
0x18: {  	[tilespmem:s7], [sflag:$0x1] =	stream.indirect.gather [hbm4b:s5+s6], $0x80, s2, s6, $0xb8;
	[tilespmem:$0xCA00] =	vst v63  }
0x19: {  	_ =	swait.ge [sflag:s8], $0xC800  }
.Ltmp1:
0x1a: {  	[sflag:s8] =	ssyncset.done $0x0;
	(pc) =	sbr.rel @p0 .LBB2_1-.Ltmp1, $4  }
0x1b: {  	[sflag:s8] =	ssyncadd.s32 $0xFFFF3800  }
0x1c: {  	[hbm4b:s9+s2] =	stream.linear.scatter [tilespmem:s7], [sflag:$0x2], $0xC800, $0x38;
	[tilespmem:$0xCA00] =	vst v63  }
0x1d: {  	_ =	swait.ge [sflag:s3], $0xC800  }
0x1e: {  	[sflag:s3] =	ssyncset.done $0x0  }
.LBB2_2:
0x1f: {  	[sflag:s3] =	ssyncadd.s32 $0xFFFF3800  }
0x20: {  	_ =	sfence.sel $0x180000  }
0x21: {  	[bflag:$0x0] =	sbarrier.arrive $0xFFFF  }
0x22: {  	p0 =	sne.s32 s0, $0x0;
	_ =	strace $0x9000004D  }
0x23: {  	s0 =	sadd.s32 @!p0 $0x100000, s1;
	[bflag:$0x2] =	sbarrier.arrive $0xFFFF  }
0x24: {  	[sflag:s0] =	ssyncadd.tile.s32 @!p0 $0x1;
	_ =	shalt  }
.Lfunc_end2:
_tile_overlayer_lowered:
.L_overlay_start_2:
0x25: {  	(tag) =	ssettag $0x2  }
0x26: {  	s0 =	rddreg [dreg:$0x0];
	s2 =	stileid.u32  }
0x27: {  	s1 =	rddreg [dreg:$0x1];
	p0 =	sne.s32 s2, $0x0  }
0x28: {  	s3 =	rddreg [dreg:$0x2];
	[bflag:$0x3] =	sbarrier.arrive $0xFFFF;
	s2 =	simm.s32 @!p0 $0x1C02  }
0x29: {  	[timem:s3], [sflag:s2] =	dma.local @!p0 [hbm:s0], s1  }
0x2a: {  	s0 =	simm.s32 @!p0 $0x2  }
0x2b: {  	_ =	swait.ge @!p0 [sflag:s0], s1  }
0x2c: {  	s1 =	ssub.s32 @!p0 $0x0, s1;
	[sflag:s0] =	ssyncset.done @!p0 $0x0  }
0x2d: {  	[sflag:s0] =	ssyncadd.s32 @!p0 s1  }
0x2e: {  	[bflag:$0x3] =	sbarrier.arrive $0xFFFF  }
0x2f: {  	_ =	shalt  }

</sc_bundles>
